<compile_context>
chip_gen: v7x
topology: tpu7x:2x2x1
jax: 0.10.2.dev20260603
libtpu: 0.0.44.dev20260713+nightly
codegen_flags: <defaults>
</compile_context>

<pallas_src>
import functools

import jax
import jax.numpy as jnp
from jax import lax
from jax.experimental import pallas as pl
from jax.experimental.pallas import tpu as pltpu
from jax.experimental.pallas import tpu_sc as plsc


def _sc_geometry():
    try:
        info = plsc.get_sparse_core_info()
        return info.num_cores, info.num_subcores
    except Exception:
        return 2, 16


@functools.lru_cache(maxsize=None)
def _make_gather_t(S, B, V, D, cb):
    NC, NS = _sc_geometry()
    NW = NC * NS
    SG = 8
    full_groups = S // SG
    S_tail = S - full_groups * SG
    assert D == NW and B % cb == 0 and cb % 128 == 0 and cb % 16 == 0
    nb = B // cb
    n_blocks = full_groups * nb
    assert n_blocks % 2 == 0 and (S_tail * nb) % 2 == 0
    pairs = n_blocks // 2
    tail_pairs = (S_tail * nb) // 2
    mesh = plsc.VectorSubcoreMesh(core_axis_name="c", subcore_axis_name="s",
                                  num_cores=NC, num_subcores=NS)

    @functools.partial(
        pl.kernel,
        out_type=jax.ShapeDtypeStruct((S, D, B), jnp.float32),
        mesh=mesh,
        scratch_types=[
            pltpu.VMEM((V,), jnp.float32),
            pltpu.VMEM((SG, cb), jnp.int32),
            pltpu.VMEM((SG, cb), jnp.int32),
            pltpu.VMEM((cb,), jnp.int32),
            pltpu.VMEM((cb,), jnp.int32),
            pltpu.VMEM((cb,), jnp.float32),
            pltpu.VMEM((cb,), jnp.float32),
            pltpu.SemaphoreType.DMA,
            pltpu.SemaphoreType.DMA,
            pltpu.SemaphoreType.DMA,
            pltpu.SemaphoreType.DMA,
            pltpu.SemaphoreType.DMA,
        ],
        compiler_params=pltpu.CompilerParams(use_tc_tiling_on_sc=True,
                                             needs_layout_passes=False,
                                             disable_bounds_checks=True),
    )
    def gather_kernel(uid_hbm, table_hbm, out_hbm, row_v, blk0, blk1,
                      idx0, idx1, res0, res1, si0, si1, so0, so1, sr):
        d = lax.axis_index("s") * NC + lax.axis_index("c")
        row_copy = pltpu.make_async_copy(table_hbm.at[d, :], row_v, sr)
        row_copy.start()
        blk_v = (blk0, blk1)
        idx_v = (idx0, idx1)
        res_v = (res0, res1)
        si = (si0, si1)
        so = (so0, so1)

        def gather_into(load_iv, rb):
            @plsc.parallel_loop(0, cb, step=16, unroll=8)
            def _inner(off):
                iv = load_iv(off)
                res_v[rb][pl.ds(off, 16)] = plsc.load_gather(row_v, [iv])

        def out_copy(s, b0, rb):
            return pltpu.make_async_copy(
                res_v[rb], out_hbm.at[s, d, pl.ds(b0, cb)], so[rb])

        def blk_copy(t, b):
            g = t // nb
            b0 = (t % nb) * cb
            return pltpu.make_async_copy(
                uid_hbm.at[pl.ds(g * SG, SG), pl.ds(b0, cb)], blk_v[b], si[b])

        def process_block(t, b, guard):
            g = t // nb
            b0 = (t % nb) * cb
            for r in range(SG):
                rb = r % 2
                s = g * SG + r
                if r >= 2:
                    out_copy(s, b0, rb).wait()
                elif guard is None:
                    out_copy(s, b0, rb).wait()
                else:
                    @pl.when(guard)
                    def _(s=s, b0=b0, rb=rb):
                        out_copy(s, b0, rb).wait()
                gather_into(lambda off, _b=b, _r=r: blk_v[_b][_r, pl.ds(off, 16)], rb)
                out_copy(s, b0, rb).start()

        blk_copy(0, 0).start()
        row_copy.wait()

        def body(p, _):
            t = 2 * p
            blk_copy(t, 0).wait()
            blk_copy(t + 1, 1).start()
            process_block(t, 0, p > 0)
            blk_copy(t + 1, 1).wait()

            @pl.when(p < pairs - 1)
            def _():
                blk_copy(t + 2, 0).start()

            process_block(t + 1, 1, None)
            return _

        lax.fori_loop(0, pairs, body, None)
        out_copy(full_groups * SG - 2, B - cb, 0).wait()
        out_copy(full_groups * SG - 1, B - cb, 1).wait()

        s_base = full_groups * SG

        def idx_copy(t, b):
            s = s_base + t // nb
            b0 = (t % nb) * cb
            return pltpu.make_async_copy(
                uid_hbm.at[s, pl.ds(b0, cb)], idx_v[b], si[b])

        def out_copy2(t, rb):
            s = s_base + t // nb
            b0 = (t % nb) * cb
            return pltpu.make_async_copy(
                res_v[rb], out_hbm.at[s, d, pl.ds(b0, cb)], so[rb])

        idx_copy(0, 0).start()

        def body2(p, _):
            t = 2 * p
            idx_copy(t, 0).wait()

            @pl.when(p > 0)
            def _():
                out_copy2(t - 1, 1).wait()

            idx_copy(t + 1, 1).start()

            @pl.when(p > 0)
            def _():
                out_copy2(t - 2, 0).wait()

            gather_into(lambda off: idx_v[0][pl.ds(off, 16)], 0)
            out_copy2(t, 0).start()
            idx_copy(t + 1, 1).wait()

            @pl.when(p < tail_pairs - 1)
            def _():
                idx_copy(t + 2, 0).start()

            gather_into(lambda off: idx_v[1][pl.ds(off, 16)], 1)
            out_copy2(t + 1, 1).start()
            return _

        lax.fori_loop(0, tail_pairs, body2, None)
        out_copy2(S_tail * nb - 2, 0).wait()
        out_copy2(S_tail * nb - 1, 1).wait()

    return gather_kernel


def kernel(user_ids, table):
    Bv, S = user_ids.shape
    V, D = table.shape
    uid_t = user_ids.T.astype(jnp.int32)
    table_t = table.T
    out_t = _make_gather_t(S, Bv, V, D, 1024)(uid_t, table_t)
    return out_t.transpose(2, 0, 1)

# --- scband reference (transcript-rebuilt; emitter-appended) ---
"""Pipeline reference for scband-habit-embedding-53541062312113 (READ-ONLY COPY).

The authoritative reference and input builder live on the scoring server;
editing this copy changes nothing except your own understanding.
"""

import jax, jax.numpy as jnp
import numpy as np

VOCAB = 100000
EMBED_DIM = 32

def setup_inputs(seed: int = 0) -> dict:
    key = jax.random.key(seed)
    k_idx, k_tbl = jax.random.split(key)
    user_ids = jax.random.randint(k_idx, (16384, 50), 0, VOCAB, dtype=jnp.int64 if jax.config.jax_enable_x64 else jnp.int32)
    table = jax.random.normal(k_tbl, (VOCAB, EMBED_DIM), dtype=jnp.float32)
    return {"user_ids": user_ids, "table": table}

def reference(user_ids, table):
    # nn.Embedding forward == row gather from the table
    return jnp.take(table, user_ids, axis=0)

if __name__ == "__main__":
    import jax
    _d = setup_inputs()
    print(jax.jit(kernel)(*tuple(_d.values())))

</pallas_src>

<mosaic_0001>
#map = affine_map<(d0, d1) -> (0, 0)>
#map1 = affine_map<(d0, d1) -> (0, 0, 0)>
module attributes {stable_mosaic.version = 14 : i64} {
  func.func @gather_kernel(%arg0: i32, %arg1: i32, %arg2: memref<50x16384xi32, #tpu.memory_space<hbm>>, %arg3: memref<32x100000xf32, #tpu.memory_space<hbm>>, %arg4: memref<50x32x16384xf32, #tpu.memory_space<hbm>>, %arg5: memref<100000xf32, #tpu.memory_space<vmem>>, %arg6: memref<8x1024xi32, #tpu.memory_space<vmem>>, %arg7: memref<8x1024xi32, #tpu.memory_space<vmem>>, %arg8: memref<1024xi32, #tpu.memory_space<vmem>>, %arg9: memref<1024xi32, #tpu.memory_space<vmem>>, %arg10: memref<1024xf32, #tpu.memory_space<vmem>>, %arg11: memref<1024xf32, #tpu.memory_space<vmem>>, %arg12: memref<!tpu.dma_semaphore, #tpu.memory_space<semaphore_mem>>, %arg13: memref<!tpu.dma_semaphore, #tpu.memory_space<semaphore_mem>>, %arg14: memref<!tpu.dma_semaphore, #tpu.memory_space<semaphore_mem>>, %arg15: memref<!tpu.dma_semaphore, #tpu.memory_space<semaphore_mem>>, %arg16: memref<!tpu.dma_semaphore, #tpu.memory_space<semaphore_mem>>) attributes {dimension_semantics = [#tpu.dimension_semantics<core_parallel>, #tpu.dimension_semantics<subcore_parallel>], iteration_bounds = array<i64: 2, 16>, scalar_prefetch = 0 : i64, scratch_operands = 12 : i64, tpu.core_type = #tpu.core_type<sc_vector_subcore>, window_params = [{transform_indices = #map}, {transform_indices = #map}, {transform_indices = #map1}]} {
    %mul3A = arith.constant 2 : i32
    %mul3A_0 = arith.muli %arg1, %mul3A : i32
    %add3A = arith.addi %mul3A_0, %arg0 : i32
    %dma_start3A = arith.constant 0 : i32
    %dma_start3A_1 = tpu.memref_slice %arg3[%add3A, %dma_start3A] : memref<32x100000xf32, #tpu.memory_space<hbm>> -> memref<1x100000xf32, #tpu.memory_space<hbm>>
    %dma_start3A_2 = tpu.memref_squeeze %dma_start3A_1 : memref<1x100000xf32, #tpu.memory_space<hbm>> -> memref<100000xf32, #tpu.memory_space<hbm>>
    %dma_start3A_3 = arith.constant 0 : i32
    %dma_start3A_4 = tpu.memref_slice %arg3[%add3A, %dma_start3A_3] : memref<32x100000xf32, #tpu.memory_space<hbm>> -> memref<1x100000xf32, #tpu.memory_space<hbm>>
    %dma_start3A_5 = tpu.memref_squeeze %dma_start3A_4 : memref<1x100000xf32, #tpu.memory_space<hbm>> -> memref<100000xf32, #tpu.memory_space<hbm>>
    tpu.enqueue_dma source(%dma_start3A_5 : memref<100000xf32, #tpu.memory_space<hbm>>) target(%arg5 : memref<100000xf32, #tpu.memory_space<vmem>>) target_semaphore(%arg16 : memref<!tpu.dma_semaphore, #tpu.memory_space<semaphore_mem>>)
    %dma_start3A_6 = arith.constant 0 : i32
    %dma_start3A_7 = arith.constant 0 : i32
    %dma_start3A_8 = tpu.memref_slice %arg2[%dma_start3A_6, %dma_start3A_7] : memref<50x16384xi32, #tpu.memory_space<hbm>> -> memref<8x1024xi32, #tpu.memory_space<hbm>>
    %dma_start3A_9 = arith.constant 0 : i32
    %dma_start3A_10 = arith.constant 0 : i32
    %dma_start3A_11 = tpu.memref_slice %arg2[%dma_start3A_9, %dma_start3A_10] : memref<50x16384xi32, #tpu.memory_space<hbm>> -> memref<8x1024xi32, #tpu.memory_space<hbm>>
    tpu.enqueue_dma source(%dma_start3A_11 : memref<8x1024xi32, #tpu.memory_space<hbm>>) target(%arg6 : memref<8x1024xi32, #tpu.memory_space<vmem>>) target_semaphore(%arg12 : memref<!tpu.dma_semaphore, #tpu.memory_space<semaphore_mem>>)
    %dma_wait3A = arith.constant 0 : i32
    %dma_wait3A_12 = tpu.memref_slice %arg3[%add3A, %dma_wait3A] : memref<32x100000xf32, #tpu.memory_space<hbm>> -> memref<1x100000xf32, #tpu.memory_space<hbm>>
    %dma_wait3A_13 = tpu.memref_squeeze %dma_wait3A_12 : memref<1x100000xf32, #tpu.memory_space<hbm>> -> memref<100000xf32, #tpu.memory_space<hbm>>
    %dma_wait3A_14 = arith.constant 0 : i32
    %dma_wait3A_15 = tpu.memref_slice %arg3[%add3A, %dma_wait3A_14] : memref<32x100000xf32, #tpu.memory_space<hbm>> -> memref<1x100000xf32, #tpu.memory_space<hbm>>
    %dma_wait3A_16 = tpu.memref_squeeze %dma_wait3A_15 : memref<1x100000xf32, #tpu.memory_space<hbm>> -> memref<100000xf32, #tpu.memory_space<hbm>>
    tpu.wait_dma2 semaphore(%arg16 : memref<!tpu.dma_semaphore, #tpu.memory_space<semaphore_mem>>) src(%dma_wait3A_16 : memref<100000xf32, #tpu.memory_space<hbm>>) dst(%arg5 : memref<100000xf32, #tpu.memory_space<vmem>>)
    %scan3A = arith.constant 0 : i32
    %scan3A_17 = arith.constant 48 : i32
    %scan3A_18 = arith.addi %scan3A, %scan3A_17 : i32
    %scan3A_19 = arith.constant 1 : i32
    scf.for %scan3A_61 = %scan3A to %scan3A_18 step %scan3A_19  : i32 {
      %mul3A_62 = arith.constant 2 : i32
      %mul3A_63 = arith.muli %mul3A_62, %scan3A_61 : i32
      %jit3A = arith.constant 16 : i32
      %div3A = arith.divsi %mul3A_63, %jit3A : i32
      %sign3A = arith.constant 0 : i32
      %sign3A_64 = arith.cmpi sgt, %mul3A_63, %sign3A : i32
      %sign3A_65 = arith.extui %sign3A_64 : i1 to i32
      %sign3A_66 = arith.constant 0 : i32
      %sign3A_67 = arith.cmpi slt, %mul3A_63, %sign3A_66 : i32
      %sign3A_68 = arith.extui %sign3A_67 : i1 to i32
      %sign3A_69 = arith.subi %sign3A_65, %sign3A_68 : i32
      %sign3A_70 = arith.constant 0 : i32
      %sign3A_71 = arith.cmpi sgt, %jit3A, %sign3A_70 : i32
      %sign3A_72 = arith.extui %sign3A_71 : i1 to i32
      %sign3A_73 = arith.constant 0 : i32
      %sign3A_74 = arith.cmpi slt, %jit3A, %sign3A_73 : i32
      %sign3A_75 = arith.extui %sign3A_74 : i1 to i32
      %sign3A_76 = arith.subi %sign3A_72, %sign3A_75 : i32
      %ne3A = arith.cmpi ne, %sign3A_69, %sign3A_76 : i32
      %rem3A = arith.remsi %mul3A_63, %jit3A : i32
      %ne3A_77 = arith.constant 0 : i32
      %ne3A_78 = arith.cmpi ne, %rem3A, %ne3A_77 : i32
      %and3A = arith.andi %ne3A, %ne3A_78 : i1
      %sub3A = arith.constant 1 : i32
      %sub3A_79 = arith.subi %div3A, %sub3A : i32
      %select_n3A = arith.select %and3A, %sub3A_79, %div3A : i32
      %jit3A_80 = arith.constant 16 : i32
      %eq3A = arith.constant 0 : i32
      %eq3A_81 = arith.cmpi eq, %jit3A_80, %eq3A : i32
      %jit3A_82 = arith.constant 1 : i32
      %select_n3A_83 = arith.select %eq3A_81, %jit3A_82, %jit3A_80 : i32
      %rem3A_84 = arith.remsi %mul3A_63, %select_n3A_83 : i32
      %ne3A_85 = arith.constant 0 : i32
      %ne3A_86 = arith.cmpi ne, %rem3A_84, %ne3A_85 : i32
      %lt3A = arith.constant 0 : i32
      %lt3A_87 = arith.cmpi slt, %rem3A_84, %lt3A : i32
      %lt3A_88 = arith.constant 0 : i32
      %lt3A_89 = arith.cmpi slt, %select_n3A_83, %lt3A_88 : i32
      %ne3A_90 = arith.xori %lt3A_87, %lt3A_89 : i1
      %and3A_91 = arith.andi %ne3A_90, %ne3A_86 : i1
      %add3A_92 = arith.addi %rem3A_84, %select_n3A_83 : i32
      %select_n3A_93 = arith.select %and3A_91, %add3A_92, %rem3A_84 : i32
      %mul3A_94 = arith.constant 1024 : i32
      %mul3A_95 = arith.muli %select_n3A_93, %mul3A_94 : i32
      %mul3A_96 = arith.constant 8 : i32
      %mul3A_97 = arith.muli %select_n3A, %mul3A_96 : i32
      %dma_wait3A_98 = tpu.memref_slice %arg2[%mul3A_97, %mul3A_95] : memref<50x16384xi32, #tpu.memory_space<hbm>> -> memref<8x1024xi32, #tpu.memory_space<hbm>>
      %dma_wait3A_99 = tpu.memref_slice %arg2[%mul3A_97, %mul3A_95] : memref<50x16384xi32, #tpu.memory_space<hbm>> -> memref<8x1024xi32, #tpu.memory_space<hbm>>
      tpu.wait_dma2 semaphore(%arg12 : memref<!tpu.dma_semaphore, #tpu.memory_space<semaphore_mem>>) src(%dma_wait3A_99 : memref<8x1024xi32, #tpu.memory_space<hbm>>) dst(%arg6 : memref<8x1024xi32, #tpu.memory_space<vmem>>)
      %add3A_100 = arith.constant 1 : i32
      %add3A_101 = arith.addi %mul3A_63, %add3A_100 : i32
      %jit3A_102 = arith.constant 16 : i32
      %div3A_103 = arith.divsi %add3A_101, %jit3A_102 : i32
      %sign3A_104 = arith.constant 0 : i32
      %sign3A_105 = arith.cmpi sgt, %add3A_101, %sign3A_104 : i32
      %sign3A_106 = arith.extui %sign3A_105 : i1 to i32
      %sign3A_107 = arith.constant 0 : i32
      %sign3A_108 = arith.cmpi slt, %add3A_101, %sign3A_107 : i32
      %sign3A_109 = arith.extui %sign3A_108 : i1 to i32
      %sign3A_110 = arith.subi %sign3A_106, %sign3A_109 : i32
      %sign3A_111 = arith.constant 0 : i32
      %sign3A_112 = arith.cmpi sgt, %jit3A_102, %sign3A_111 : i32
      %sign3A_113 = arith.extui %sign3A_112 : i1 to i32
      %sign3A_114 = arith.constant 0 : i32
      %sign3A_115 = arith.cmpi slt, %jit3A_102, %sign3A_114 : i32
      %sign3A_116 = arith.extui %sign3A_115 : i1 to i32
      %sign3A_117 = arith.subi %sign3A_113, %sign3A_116 : i32
      %ne3A_118 = arith.cmpi ne, %sign3A_110, %sign3A_117 : i32
      %rem3A_119 = arith.remsi %add3A_101, %jit3A_102 : i32
      %ne3A_120 = arith.constant 0 : i32
      %ne3A_121 = arith.cmpi ne, %rem3A_119, %ne3A_120 : i32
      %and3A_122 = arith.andi %ne3A_118, %ne3A_121 : i1
      %sub3A_123 = arith.constant 1 : i32
      %sub3A_124 = arith.subi %div3A_103, %sub3A_123 : i32
      %select_n3A_125 = arith.select %and3A_122, %sub3A_124, %div3A_103 : i32
      %jit3A_126 = arith.constant 16 : i32
      %eq3A_127 = arith.constant 0 : i32
      %eq3A_128 = arith.cmpi eq, %jit3A_126, %eq3A_127 : i32
      %jit3A_129 = arith.constant 1 : i32
      %select_n3A_130 = arith.select %eq3A_128, %jit3A_129, %jit3A_126 : i32
      %rem3A_131 = arith.remsi %add3A_101, %select_n3A_130 : i32
      %ne3A_132 = arith.constant 0 : i32
      %ne3A_133 = arith.cmpi ne, %rem3A_131, %ne3A_132 : i32
      %lt3A_134 = arith.constant 0 : i32
      %lt3A_135 = arith.cmpi slt, %rem3A_131, %lt3A_134 : i32
      %lt3A_136 = arith.constant 0 : i32
      %lt3A_137 = arith.cmpi slt, %select_n3A_130, %lt3A_136 : i32
      %ne3A_138 = arith.xori %lt3A_135, %lt3A_137 : i1
      %and3A_139 = arith.andi %ne3A_138, %ne3A_133 : i1
      %add3A_140 = arith.addi %rem3A_131, %select_n3A_130 : i32
      %select_n3A_141 = arith.select %and3A_139, %add3A_140, %rem3A_131 : i32
      %mul3A_142 = arith.constant 1024 : i32
      %mul3A_143 = arith.muli %select_n3A_141, %mul3A_142 : i32
      %mul3A_144 = arith.constant 8 : i32
      %mul3A_145 = arith.muli %select_n3A_125, %mul3A_144 : i32
      %dma_start3A_146 = tpu.memref_slice %arg2[%mul3A_145, %mul3A_143] : memref<50x16384xi32, #tpu.memory_space<hbm>> -> memref<8x1024xi32, #tpu.memory_space<hbm>>
      %dma_start3A_147 = tpu.memref_slice %arg2[%mul3A_145, %mul3A_143] : memref<50x16384xi32, #tpu.memory_space<hbm>> -> memref<8x1024xi32, #tpu.memory_space<hbm>>
      tpu.enqueue_dma source(%dma_start3A_147 : memref<8x1024xi32, #tpu.memory_space<hbm>>) target(%arg7 : memref<8x1024xi32, #tpu.memory_space<vmem>>) target_semaphore(%arg13 : memref<!tpu.dma_semaphore, #tpu.memory_space<semaphore_mem>>)
      %gt3A = arith.constant 0 : i32
      %gt3A_148 = arith.cmpi sgt, %scan3A_61, %gt3A : i32
      %jit3A_149 = arith.constant 16 : i32
      %div3A_150 = arith.divsi %mul3A_63, %jit3A_149 : i32
      %sign3A_151 = arith.constant 0 : i32
      %sign3A_152 = arith.cmpi sgt, %mul3A_63, %sign3A_151 : i32
      %sign3A_153 = arith.extui %sign3A_152 : i1 to i32
      %sign3A_154 = arith.constant 0 : i32
      %sign3A_155 = arith.cmpi slt, %mul3A_63, %sign3A_154 : i32
      %sign3A_156 = arith.extui %sign3A_155 : i1 to i32
      %sign3A_157 = arith.subi %sign3A_153, %sign3A_156 : i32
      %sign3A_158 = arith.constant 0 : i32
      %sign3A_159 = arith.cmpi sgt, %jit3A_149, %sign3A_158 : i32
      %sign3A_160 = arith.extui %sign3A_159 : i1 to i32
      %sign3A_161 = arith.constant 0 : i32
      %sign3A_162 = arith.cmpi slt, %jit3A_149, %sign3A_161 : i32
      %sign3A_163 = arith.extui %sign3A_162 : i1 to i32
      %sign3A_164 = arith.subi %sign3A_160, %sign3A_163 : i32
      %ne3A_165 = arith.cmpi ne, %sign3A_157, %sign3A_164 : i32
      %rem3A_166 = arith.remsi %mul3A_63, %jit3A_149 : i32
      %ne3A_167 = arith.constant 0 : i32
      %ne3A_168 = arith.cmpi ne, %rem3A_166, %ne3A_167 : i32
      %and3A_169 = arith.andi %ne3A_165, %ne3A_168 : i1
      %sub3A_170 = arith.constant 1 : i32
      %sub3A_171 = arith.subi %div3A_150, %sub3A_170 : i32
      %select_n3A_172 = arith.select %and3A_169, %sub3A_171, %div3A_150 : i32
      %jit3A_173 = arith.constant 16 : i32
      %eq3A_174 = arith.constant 0 : i32
      %eq3A_175 = arith.cmpi eq, %jit3A_173, %eq3A_174 : i32
      %jit3A_176 = arith.constant 1 : i32
      %select_n3A_177 = arith.select %eq3A_175, %jit3A_176, %jit3A_173 : i32
      %rem3A_178 = arith.remsi %mul3A_63, %select_n3A_177 : i32
      %ne3A_179 = arith.constant 0 : i32
      %ne3A_180 = arith.cmpi ne, %rem3A_178, %ne3A_179 : i32
      %lt3A_181 = arith.constant 0 : i32
      %lt3A_182 = arith.cmpi slt, %rem3A_178, %lt3A_181 : i32
      %lt3A_183 = arith.constant 0 : i32
      %lt3A_184 = arith.cmpi slt, %select_n3A_177, %lt3A_183 : i32
      %ne3A_185 = arith.xori %lt3A_182, %lt3A_184 : i1
      %and3A_186 = arith.andi %ne3A_185, %ne3A_180 : i1
      %add3A_187 = arith.addi %rem3A_178, %select_n3A_177 : i32
      %select_n3A_188 = arith.select %and3A_186, %add3A_187, %rem3A_178 : i32
      %mul3A_189 = arith.constant 1024 : i32
      %mul3A_190 = arith.muli %select_n3A_188, %mul3A_189 : i32
      %mul3A_191 = arith.constant 8 : i32
      %mul3A_192 = arith.muli %select_n3A_172, %mul3A_191 : i32
      %add3A_193 = arith.constant 0 : i32
      %add3A_194 = arith.addi %mul3A_192, %add3A_193 : i32
      %convert_element_type3A = arith.extui %gt3A_148 : i1 to i32
      %cond3A = arith.constant 0 : i32
      %cond3A_195 = arith.cmpi ne, %convert_element_type3A, %cond3A : i32
      scf.if %cond3A_195 {
        %dma_wait3A_523 = tpu.memref_slice %arg4[%add3A_194, %add3A, %mul3A_190] : memref<50x32x16384xf32, #tpu.memory_space<hbm>> -> memref<1x1x1024xf32, #tpu.memory_space<hbm>>
        %dma_wait3A_524 = tpu.memref_squeeze %dma_wait3A_523 : memref<1x1x1024xf32, #tpu.memory_space<hbm>> -> memref<1024xf32, #tpu.memory_space<hbm>>
        %dma_wait3A_525 = tpu.memref_slice %arg4[%add3A_194, %add3A, %mul3A_190] : memref<50x32x16384xf32, #tpu.memory_space<hbm>> -> memref<1x1x1024xf32, #tpu.memory_space<hbm>>
        %dma_wait3A_526 = tpu.memref_squeeze %dma_wait3A_525 : memref<1x1x1024xf32, #tpu.memory_space<hbm>> -> memref<1024xf32, #tpu.memory_space<hbm>>
        tpu.wait_dma2 semaphore(%arg14 : memref<!tpu.dma_semaphore, #tpu.memory_space<semaphore_mem>>) src(%arg10 : memref<1024xf32, #tpu.memory_space<vmem>>) dst(%dma_wait3A_526 : memref<1024xf32, #tpu.memory_space<hbm>>)
      } else {
      }
      %parallel_loop3A = arith.constant 0 : i32
      %parallel_loop3A_196 = arith.constant 1024 : i32
      %parallel_loop3A_197 = arith.constant 16 : i32
      scf.for %parallel_loop3A_523 = %parallel_loop3A to %parallel_loop3A_196 step %parallel_loop3A_197  : i32 {
        %parallel_loop3A_524 = arith.constant 0 : i32
        %parallel_loop3A_525 = arith.index_cast %parallel_loop3A_524 : i32 to index
        %parallel_loop3A_526 = arith.index_cast %parallel_loop3A_523 : i32 to index
        %parallel_loop3A_527 = tpu.vector_load %arg6[%parallel_loop3A_525, %parallel_loop3A_526] {strides = array<i32>} : memref<8x1024xi32, #tpu.memory_space<vmem>>, vector<16xi32>,
        %parallel_loop3A_528 = tpu.vector_load_idx %arg5[%parallel_loop3A_527] : memref<100000xf32, #tpu.memory_space<vmem>>[vector<16xi32>], vector<16xf32>,
        %parallel_loop3A_529 = arith.index_cast %parallel_loop3A_523 : i32 to index
        %parallel_loop3A_530 = tpu.vector_load %arg10[%parallel_loop3A_529] {strides = array<i32>} : memref<1024xf32, #tpu.memory_space<vmem>>, vector<16xf32>,
        tpu.vector_store %arg10[%parallel_loop3A_529], %parallel_loop3A_528 {strides = array<i32>} : memref<1024xf32, #tpu.memory_space<vmem>>, vector<16xf32>,
      } {sc.loop_unroll_factor = 8 : i64, sc.parallel_access}
      %dma_start3A_198 = tpu.memref_slice %arg4[%add3A_194, %add3A, %mul3A_190] : memref<50x32x16384xf32, #tpu.memory_space<hbm>> -> memref<1x1x1024xf32, #tpu.memory_space<hbm>>
      %dma_start3A_199 = tpu.memref_squeeze %dma_start3A_198 : memref<1x1x1024xf32, #tpu.memory_space<hbm>> -> memref<1024xf32, #tpu.memory_space<hbm>>
      %dma_start3A_200 = tpu.memref_slice %arg4[%add3A_194, %add3A, %mul3A_190] : memref<50x32x16384xf32, #tpu.memory_space<hbm>> -> memref<1x1x1024xf32, #tpu.memory_space<hbm>>
      %dma_start3A_201 = tpu.memref_squeeze %dma_start3A_200 : memref<1x1x1024xf32, #tpu.memory_space<hbm>> -> memref<1024xf32, #tpu.memory_space<hbm>>
      tpu.enqueue_dma source(%arg10 : memref<1024xf32, #tpu.memory_space<vmem>>) target(%dma_start3A_201 : memref<1024xf32, #tpu.memory_space<hbm>>) target_semaphore(%arg14 : memref<!tpu.dma_semaphore, #tpu.memory_space<semaphore_mem>>)
      %mul3A_202 = arith.constant 8 : i32
      %mul3A_203 = arith.muli %select_n3A_172, %mul3A_202 : i32
      %add3A_204 = arith.constant 1 : i32
      %add3A_205 = arith.addi %mul3A_203, %add3A_204 : i32
      %convert_element_type3A_206 = arith.extui %gt3A_148 : i1 to i32
      %cond3A_207 = arith.constant 0 : i32
      %cond3A_208 = arith.cmpi ne, %convert_element_type3A_206, %cond3A_207 : i32
      scf.if %cond3A_208 {
        %dma_wait3A_523 = tpu.memref_slice %arg4[%add3A_205, %add3A, %mul3A_190] : memref<50x32x16384xf32, #tpu.memory_space<hbm>> -> memref<1x1x1024xf32, #tpu.memory_space<hbm>>
        %dma_wait3A_524 = tpu.memref_squeeze %dma_wait3A_523 : memref<1x1x1024xf32, #tpu.memory_space<hbm>> -> memref<1024xf32, #tpu.memory_space<hbm>>
        %dma_wait3A_525 = tpu.memref_slice %arg4[%add3A_205, %add3A, %mul3A_190] : memref<50x32x16384xf32, #tpu.memory_space<hbm>> -> memref<1x1x1024xf32, #tpu.memory_space<hbm>>
        %dma_wait3A_526 = tpu.memref_squeeze %dma_wait3A_525 : memref<1x1x1024xf32, #tpu.memory_space<hbm>> -> memref<1024xf32, #tpu.memory_space<hbm>>
        tpu.wait_dma2 semaphore(%arg15 : memref<!tpu.dma_semaphore, #tpu.memory_space<semaphore_mem>>) src(%arg11 : memref<1024xf32, #tpu.memory_space<vmem>>) dst(%dma_wait3A_526 : memref<1024xf32, #tpu.memory_space<hbm>>)
      } else {
      }
      %parallel_loop3A_209 = arith.constant 0 : i32
      %parallel_loop3A_210 = arith.constant 1024 : i32
      %parallel_loop3A_211 = arith.constant 16 : i32
      scf.for %parallel_loop3A_523 = %parallel_loop3A_209 to %parallel_loop3A_210 step %parallel_loop3A_211  : i32 {
        %parallel_loop3A_524 = arith.constant 1 : i32
        %parallel_loop3A_525 = arith.index_cast %parallel_loop3A_524 : i32 to index
        %parallel_loop3A_526 = arith.index_cast %parallel_loop3A_523 : i32 to index
        %parallel_loop3A_527 = tpu.vector_load %arg6[%parallel_loop3A_525, %parallel_loop3A_526] {strides = array<i32>} : memref<8x1024xi32, #tpu.memory_space<vmem>>, vector<16xi32>,
        %parallel_loop3A_528 = tpu.vector_load_idx %arg5[%parallel_loop3A_527] : memref<100000xf32, #tpu.memory_space<vmem>>[vector<16xi32>], vector<16xf32>,
        %parallel_loop3A_529 = arith.index_cast %parallel_loop3A_523 : i32 to index
        %parallel_loop3A_530 = tpu.vector_load %arg11[%parallel_loop3A_529] {strides = array<i32>} : memref<1024xf32, #tpu.memory_space<vmem>>, vector<16xf32>,
        tpu.vector_store %arg11[%parallel_loop3A_529], %parallel_loop3A_528 {strides = array<i32>} : memref<1024xf32, #tpu.memory_space<vmem>>, vector<16xf32>,
      } {sc.loop_unroll_factor = 8 : i64, sc.parallel_access}
      %dma_start3A_212 = tpu.memref_slice %arg4[%add3A_205, %add3A, %mul3A_190] : memref<50x32x16384xf32, #tpu.memory_space<hbm>> -> memref<1x1x1024xf32, #tpu.memory_space<hbm>>
      %dma_start3A_213 = tpu.memref_squeeze %dma_start3A_212 : memref<1x1x1024xf32, #tpu.memory_space<hbm>> -> memref<1024xf32, #tpu.memory_space<hbm>>
      %dma_start3A_214 = tpu.memref_slice %arg4[%add3A_205, %add3A, %mul3A_190] : memref<50x32x16384xf32, #tpu.memory_space<hbm>> -> memref<1x1x1024xf32, #tpu.memory_space<hbm>>
      %dma_start3A_215 = tpu.memref_squeeze %dma_start3A_214 : memref<1x1x1024xf32, #tpu.memory_space<hbm>> -> memref<1024xf32, #tpu.memory_space<hbm>>
      tpu.enqueue_dma source(%arg11 : memref<1024xf32, #tpu.memory_space<vmem>>) target(%dma_start3A_215 : memref<1024xf32, #tpu.memory_space<hbm>>) target_semaphore(%arg15 : memref<!tpu.dma_semaphore, #tpu.memory_space<semaphore_mem>>)
      %mul3A_216 = arith.constant 8 : i32
      %mul3A_217 = arith.muli %select_n3A_172, %mul3A_216 : i32
      %add3A_218 = arith.constant 2 : i32
      %add3A_219 = arith.addi %mul3A_217, %add3A_218 : i32
      %dma_wait3A_220 = tpu.memref_slice %arg4[%add3A_219, %add3A, %mul3A_190] : memref<50x32x16384xf32, #tpu.memory_space<hbm>> -> memref<1x1x1024xf32, #tpu.memory_space<hbm>>
      %dma_wait3A_221 = tpu.memref_squeeze %dma_wait3A_220 : memref<1x1x1024xf32, #tpu.memory_space<hbm>> -> memref<1024xf32, #tpu.memory_space<hbm>>
      %dma_wait3A_222 = tpu.memref_slice %arg4[%add3A_219, %add3A, %mul3A_190] : memref<50x32x16384xf32, #tpu.memory_space<hbm>> -> memref<1x1x1024xf32, #tpu.memory_space<hbm>>
      %dma_wait3A_223 = tpu.memref_squeeze %dma_wait3A_222 : memref<1x1x1024xf32, #tpu.memory_space<hbm>> -> memref<1024xf32, #tpu.memory_space<hbm>>
      tpu.wait_dma2 semaphore(%arg14 : memref<!tpu.dma_semaphore, #tpu.memory_space<semaphore_mem>>) src(%arg10 : memref<1024xf32, #tpu.memory_space<vmem>>) dst(%dma_wait3A_223 : memref<1024xf32, #tpu.memory_space<hbm>>)
      %parallel_loop3A_224 = arith.constant 0 : i32
      %parallel_loop3A_225 = arith.constant 1024 : i32
      %parallel_loop3A_226 = arith.constant 16 : i32
      scf.for %parallel_loop3A_523 = %parallel_loop3A_224 to %parallel_loop3A_225 step %parallel_loop3A_226  : i32 {
        %parallel_loop3A_524 = arith.constant 2 : i32
        %parallel_loop3A_525 = arith.index_cast %parallel_loop3A_524 : i32 to index
        %parallel_loop3A_526 = arith.index_cast %parallel_loop3A_523 : i32 to index
        %parallel_loop3A_527 = tpu.vector_load %arg6[%parallel_loop3A_525, %parallel_loop3A_526] {strides = array<i32>} : memref<8x1024xi32, #tpu.memory_space<vmem>>, vector<16xi32>,
        %parallel_loop3A_528 = tpu.vector_load_idx %arg5[%parallel_loop3A_527] : memref<100000xf32, #tpu.memory_space<vmem>>[vector<16xi32>], vector<16xf32>,
        %parallel_loop3A_529 = arith.index_cast %parallel_loop3A_523 : i32 to index
        %parallel_loop3A_530 = tpu.vector_load %arg10[%parallel_loop3A_529] {strides = array<i32>} : memref<1024xf32, #tpu.memory_space<vmem>>, vector<16xf32>,
        tpu.vector_store %arg10[%parallel_loop3A_529], %parallel_loop3A_528 {strides = array<i32>} : memref<1024xf32, #tpu.memory_space<vmem>>, vector<16xf32>,
      } {sc.loop_unroll_factor = 8 : i64, sc.parallel_access}
      %dma_start3A_227 = tpu.memref_slice %arg4[%add3A_219, %add3A, %mul3A_190] : memref<50x32x16384xf32, #tpu.memory_space<hbm>> -> memref<1x1x1024xf32, #tpu.memory_space<hbm>>
      %dma_start3A_228 = tpu.memref_squeeze %dma_start3A_227 : memref<1x1x1024xf32, #tpu.memory_space<hbm>> -> memref<1024xf32, #tpu.memory_space<hbm>>
      %dma_start3A_229 = tpu.memref_slice %arg4[%add3A_219, %add3A, %mul3A_190] : memref<50x32x16384xf32, #tpu.memory_space<hbm>> -> memref<1x1x1024xf32, #tpu.memory_space<hbm>>
      %dma_start3A_230 = tpu.memref_squeeze %dma_start3A_229 : memref<1x1x1024xf32, #tpu.memory_space<hbm>> -> memref<1024xf32, #tpu.memory_space<hbm>>
      tpu.enqueue_dma source(%arg10 : memref<1024xf32, #tpu.memory_space<vmem>>) target(%dma_start3A_230 : memref<1024xf32, #tpu.memory_space<hbm>>) target_semaphore(%arg14 : memref<!tpu.dma_semaphore, #tpu.memory_space<semaphore_mem>>)
      %mul3A_231 = arith.constant 8 : i32
      %mul3A_232 = arith.muli %select_n3A_172, %mul3A_231 : i32
      %add3A_233 = arith.constant 3 : i32
      %add3A_234 = arith.addi %mul3A_232, %add3A_233 : i32
      %dma_wait3A_235 = tpu.memref_slice %arg4[%add3A_234, %add3A, %mul3A_190] : memref<50x32x16384xf32, #tpu.memory_space<hbm>> -> memref<1x1x1024xf32, #tpu.memory_space<hbm>>
      %dma_wait3A_236 = tpu.memref_squeeze %dma_wait3A_235 : memref<1x1x1024xf32, #tpu.memory_space<hbm>> -> memref<1024xf32, #tpu.memory_space<hbm>>
      %dma_wait3A_237 = tpu.memref_slice %arg4[%add3A_234, %add3A, %mul3A_190] : memref<50x32x16384xf32, #tpu.memory_space<hbm>> -> memref<1x1x1024xf32, #tpu.memory_space<hbm>>
      %dma_wait3A_238 = tpu.memref_squeeze %dma_wait3A_237 : memref<1x1x1024xf32, #tpu.memory_space<hbm>> -> memref<1024xf32, #tpu.memory_space<hbm>>
      tpu.wait_dma2 semaphore(%arg15 : memref<!tpu.dma_semaphore, #tpu.memory_space<semaphore_mem>>) src(%arg11 : memref<1024xf32, #tpu.memory_space<vmem>>) dst(%dma_wait3A_238 : memref<1024xf32, #tpu.memory_space<hbm>>)
      %parallel_loop3A_239 = arith.constant 0 : i32
      %parallel_loop3A_240 = arith.constant 1024 : i32
      %parallel_loop3A_241 = arith.constant 16 : i32
      scf.for %parallel_loop3A_523 = %parallel_loop3A_239 to %parallel_loop3A_240 step %parallel_loop3A_241  : i32 {
        %parallel_loop3A_524 = arith.constant 3 : i32
        %parallel_loop3A_525 = arith.index_cast %parallel_loop3A_524 : i32 to index
        %parallel_loop3A_526 = arith.index_cast %parallel_loop3A_523 : i32 to index
        %parallel_loop3A_527 = tpu.vector_load %arg6[%parallel_loop3A_525, %parallel_loop3A_526] {strides = array<i32>} : memref<8x1024xi32, #tpu.memory_space<vmem>>, vector<16xi32>,
        %parallel_loop3A_528 = tpu.vector_load_idx %arg5[%parallel_loop3A_527] : memref<100000xf32, #tpu.memory_space<vmem>>[vector<16xi32>], vector<16xf32>,
        %parallel_loop3A_529 = arith.index_cast %parallel_loop3A_523 : i32 to index
        %parallel_loop3A_530 = tpu.vector_load %arg11[%parallel_loop3A_529] {strides = array<i32>} : memref<1024xf32, #tpu.memory_space<vmem>>, vector<16xf32>,
        tpu.vector_store %arg11[%parallel_loop3A_529], %parallel_loop3A_528 {strides = array<i32>} : memref<1024xf32, #tpu.memory_space<vmem>>, vector<16xf32>,
      } {sc.loop_unroll_factor = 8 : i64, sc.parallel_access}
      %dma_start3A_242 = tpu.memref_slice %arg4[%add3A_234, %add3A, %mul3A_190] : memref<50x32x16384xf32, #tpu.memory_space<hbm>> -> memref<1x1x1024xf32, #tpu.memory_space<hbm>>
      %dma_start3A_243 = tpu.memref_squeeze %dma_start3A_242 : memref<1x1x1024xf32, #tpu.memory_space<hbm>> -> memref<1024xf32, #tpu.memory_space<hbm>>
      %dma_start3A_244 = tpu.memref_slice %arg4[%add3A_234, %add3A, %mul3A_190] : memref<50x32x16384xf32, #tpu.memory_space<hbm>> -> memref<1x1x1024xf32, #tpu.memory_space<hbm>>
      %dma_start3A_245 = tpu.memref_squeeze %dma_start3A_244 : memref<1x1x1024xf32, #tpu.memory_space<hbm>> -> memref<1024xf32, #tpu.memory_space<hbm>>
      tpu.enqueue_dma source(%arg11 : memref<1024xf32, #tpu.memory_space<vmem>>) target(%dma_start3A_245 : memref<1024xf32, #tpu.memory_space<hbm>>) target_semaphore(%arg15 : memref<!tpu.dma_semaphore, #tpu.memory_space<semaphore_mem>>)
      %mul3A_246 = arith.constant 8 : i32
      %mul3A_247 = arith.muli %select_n3A_172, %mul3A_246 : i32
      %add3A_248 = arith.constant 4 : i32
      %add3A_249 = arith.addi %mul3A_247, %add3A_248 : i32
      %dma_wait3A_250 = tpu.memref_slice %arg4[%add3A_249, %add3A, %mul3A_190] : memref<50x32x16384xf32, #tpu.memory_space<hbm>> -> memref<1x1x1024xf32, #tpu.memory_space<hbm>>
      %dma_wait3A_251 = tpu.memref_squeeze %dma_wait3A_250 : memref<1x1x1024xf32, #tpu.memory_space<hbm>> -> memref<1024xf32, #tpu.memory_space<hbm>>
      %dma_wait3A_252 = tpu.memref_slice %arg4[%add3A_249, %add3A, %mul3A_190] : memref<50x32x16384xf32, #tpu.memory_space<hbm>> -> memref<1x1x1024xf32, #tpu.memory_space<hbm>>
      %dma_wait3A_253 = tpu.memref_squeeze %dma_wait3A_252 : memref<1x1x1024xf32, #tpu.memory_space<hbm>> -> memref<1024xf32, #tpu.memory_space<hbm>>
      tpu.wait_dma2 semaphore(%arg14 : memref<!tpu.dma_semaphore, #tpu.memory_space<semaphore_mem>>) src(%arg10 : memref<1024xf32, #tpu.memory_space<vmem>>) dst(%dma_wait3A_253 : memref<1024xf32, #tpu.memory_space<hbm>>)
      %parallel_loop3A_254 = arith.constant 0 : i32
      %parallel_loop3A_255 = arith.constant 1024 : i32
      %parallel_loop3A_256 = arith.constant 16 : i32
      scf.for %parallel_loop3A_523 = %parallel_loop3A_254 to %parallel_loop3A_255 step %parallel_loop3A_256  : i32 {
        %parallel_loop3A_524 = arith.constant 4 : i32
        %parallel_loop3A_525 = arith.index_cast %parallel_loop3A_524 : i32 to index
        %parallel_loop3A_526 = arith.index_cast %parallel_loop3A_523 : i32 to index
        %parallel_loop3A_527 = tpu.vector_load %arg6[%parallel_loop3A_525, %parallel_loop3A_526] {strides = array<i32>} : memref<8x1024xi32, #tpu.memory_space<vmem>>, vector<16xi32>,
        %parallel_loop3A_528 = tpu.vector_load_idx %arg5[%parallel_loop3A_527] : memref<100000xf32, #tpu.memory_space<vmem>>[vector<16xi32>], vector<16xf32>,
        %parallel_loop3A_529 = arith.index_cast %parallel_loop3A_523 : i32 to index
        %parallel_loop3A_530 = tpu.vector_load %arg10[%parallel_loop3A_529] {strides = array<i32>} : memref<1024xf32, #tpu.memory_space<vmem>>, vector<16xf32>,
        tpu.vector_store %arg10[%parallel_loop3A_529], %parallel_loop3A_528 {strides = array<i32>} : memref<1024xf32, #tpu.memory_space<vmem>>, vector<16xf32>,
      } {sc.loop_unroll_factor = 8 : i64, sc.parallel_access}
      %dma_start3A_257 = tpu.memref_slice %arg4[%add3A_249, %add3A, %mul3A_190] : memref<50x32x16384xf32, #tpu.memory_space<hbm>> -> memref<1x1x1024xf32, #tpu.memory_space<hbm>>
      %dma_start3A_258 = tpu.memref_squeeze %dma_start3A_257 : memref<1x1x1024xf32, #tpu.memory_space<hbm>> -> memref<1024xf32, #tpu.memory_space<hbm>>
      %dma_start3A_259 = tpu.memref_slice %arg4[%add3A_249, %add3A, %mul3A_190] : memref<50x32x16384xf32, #tpu.memory_space<hbm>> -> memref<1x1x1024xf32, #tpu.memory_space<hbm>>
      %dma_start3A_260 = tpu.memref_squeeze %dma_start3A_259 : memref<1x1x1024xf32, #tpu.memory_space<hbm>> -> memref<1024xf32, #tpu.memory_space<hbm>>
      tpu.enqueue_dma source(%arg10 : memref<1024xf32, #tpu.memory_space<vmem>>) target(%dma_start3A_260 : memref<1024xf32, #tpu.memory_space<hbm>>) target_semaphore(%arg14 : memref<!tpu.dma_semaphore, #tpu.memory_space<semaphore_mem>>)
      %mul3A_261 = arith.constant 8 : i32
      %mul3A_262 = arith.muli %select_n3A_172, %mul3A_261 : i32
      %add3A_263 = arith.constant 5 : i32
      %add3A_264 = arith.addi %mul3A_262, %add3A_263 : i32
      %dma_wait3A_265 = tpu.memref_slice %arg4[%add3A_264, %add3A, %mul3A_190] : memref<50x32x16384xf32, #tpu.memory_space<hbm>> -> memref<1x1x1024xf32, #tpu.memory_space<hbm>>
      %dma_wait3A_266 = tpu.memref_squeeze %dma_wait3A_265 : memref<1x1x1024xf32, #tpu.memory_space<hbm>> -> memref<1024xf32, #tpu.memory_space<hbm>>
      %dma_wait3A_267 = tpu.memref_slice %arg4[%add3A_264, %add3A, %mul3A_190] : memref<50x32x16384xf32, #tpu.memory_space<hbm>> -> memref<1x1x1024xf32, #tpu.memory_space<hbm>>
      %dma_wait3A_268 = tpu.memref_squeeze %dma_wait3A_267 : memref<1x1x1024xf32, #tpu.memory_space<hbm>> -> memref<1024xf32, #tpu.memory_space<hbm>>
      tpu.wait_dma2 semaphore(%arg15 : memref<!tpu.dma_semaphore, #tpu.memory_space<semaphore_mem>>) src(%arg11 : memref<1024xf32, #tpu.memory_space<vmem>>) dst(%dma_wait3A_268 : memref<1024xf32, #tpu.memory_space<hbm>>)
      %parallel_loop3A_269 = arith.constant 0 : i32
      %parallel_loop3A_270 = arith.constant 1024 : i32
      %parallel_loop3A_271 = arith.constant 16 : i32
      scf.for %parallel_loop3A_523 = %parallel_loop3A_269 to %parallel_loop3A_270 step %parallel_loop3A_271  : i32 {
        %parallel_loop3A_524 = arith.constant 5 : i32
        %parallel_loop3A_525 = arith.index_cast %parallel_loop3A_524 : i32 to index
        %parallel_loop3A_526 = arith.index_cast %parallel_loop3A_523 : i32 to index
        %parallel_loop3A_527 = tpu.vector_load %arg6[%parallel_loop3A_525, %parallel_loop3A_526] {strides = array<i32>} : memref<8x1024xi32, #tpu.memory_space<vmem>>, vector<16xi32>,
        %parallel_loop3A_528 = tpu.vector_load_idx %arg5[%parallel_loop3A_527] : memref<100000xf32, #tpu.memory_space<vmem>>[vector<16xi32>], vector<16xf32>,
        %parallel_loop3A_529 = arith.index_cast %parallel_loop3A_523 : i32 to index
        %parallel_loop3A_530 = tpu.vector_load %arg11[%parallel_loop3A_529] {strides = array<i32>} : memref<1024xf32, #tpu.memory_space<vmem>>, vector<16xf32>,
        tpu.vector_store %arg11[%parallel_loop3A_529], %parallel_loop3A_528 {strides = array<i32>} : memref<1024xf32, #tpu.memory_space<vmem>>, vector<16xf32>,
      } {sc.loop_unroll_factor = 8 : i64, sc.parallel_access}
      %dma_start3A_272 = tpu.memref_slice %arg4[%add3A_264, %add3A, %mul3A_190] : memref<50x32x16384xf32, #tpu.memory_space<hbm>> -> memref<1x1x1024xf32, #tpu.memory_space<hbm>>
      %dma_start3A_273 = tpu.memref_squeeze %dma_start3A_272 : memref<1x1x1024xf32, #tpu.memory_space<hbm>> -> memref<1024xf32, #tpu.memory_space<hbm>>
      %dma_start3A_274 = tpu.memref_slice %arg4[%add3A_264, %add3A, %mul3A_190] : memref<50x32x16384xf32, #tpu.memory_space<hbm>> -> memref<1x1x1024xf32, #tpu.memory_space<hbm>>
      %dma_start3A_275 = tpu.memref_squeeze %dma_start3A_274 : memref<1x1x1024xf32, #tpu.memory_space<hbm>> -> memref<1024xf32, #tpu.memory_space<hbm>>
      tpu.enqueue_dma source(%arg11 : memref<1024xf32, #tpu.memory_space<vmem>>) target(%dma_start3A_275 : memref<1024xf32, #tpu.memory_space<hbm>>) target_semaphore(%arg15 : memref<!tpu.dma_semaphore, #tpu.memory_space<semaphore_mem>>)
      %mul3A_276 = arith.constant 8 : i32
      %mul3A_277 = arith.muli %select_n3A_172, %mul3A_276 : i32
      %add3A_278 = arith.constant 6 : i32
      %add3A_279 = arith.addi %mul3A_277, %add3A_278 : i32
      %dma_wait3A_280 = tpu.memref_slice %arg4[%add3A_279, %add3A, %mul3A_190] : memref<50x32x16384xf32, #tpu.memory_space<hbm>> -> memref<1x1x1024xf32, #tpu.memory_space<hbm>>
      %dma_wait3A_281 = tpu.memref_squeeze %dma_wait3A_280 : memref<1x1x1024xf32, #tpu.memory_space<hbm>> -> memref<1024xf32, #tpu.memory_space<hbm>>
      %dma_wait3A_282 = tpu.memref_slice %arg4[%add3A_279, %add3A, %mul3A_190] : memref<50x32x16384xf32, #tpu.memory_space<hbm>> -> memref<1x1x1024xf32, #tpu.memory_space<hbm>>
      %dma_wait3A_283 = tpu.memref_squeeze %dma_wait3A_282 : memref<1x1x1024xf32, #tpu.memory_space<hbm>> -> memref<1024xf32, #tpu.memory_space<hbm>>
      tpu.wait_dma2 semaphore(%arg14 : memref<!tpu.dma_semaphore, #tpu.memory_space<semaphore_mem>>) src(%arg10 : memref<1024xf32, #tpu.memory_space<vmem>>) dst(%dma_wait3A_283 : memref<1024xf32, #tpu.memory_space<hbm>>)
      %parallel_loop3A_284 = arith.constant 0 : i32
      %parallel_loop3A_285 = arith.constant 1024 : i32
      %parallel_loop3A_286 = arith.constant 16 : i32
      scf.for %parallel_loop3A_523 = %parallel_loop3A_284 to %parallel_loop3A_285 step %parallel_loop3A_286  : i32 {
        %parallel_loop3A_524 = arith.constant 6 : i32
        %parallel_loop3A_525 = arith.index_cast %parallel_loop3A_524 : i32 to index
        %parallel_loop3A_526 = arith.index_cast %parallel_loop3A_523 : i32 to index
        %parallel_loop3A_527 = tpu.vector_load %arg6[%parallel_loop3A_525, %parallel_loop3A_526] {strides = array<i32>} : memref<8x1024xi32, #tpu.memory_space<vmem>>, vector<16xi32>,
        %parallel_loop3A_528 = tpu.vector_load_idx %arg5[%parallel_loop3A_527] : memref<100000xf32, #tpu.memory_space<vmem>>[vector<16xi32>], vector<16xf32>,
        %parallel_loop3A_529 = arith.index_cast %parallel_loop3A_523 : i32 to index
        %parallel_loop3A_530 = tpu.vector_load %arg10[%parallel_loop3A_529] {strides = array<i32>} : memref<1024xf32, #tpu.memory_space<vmem>>, vector<16xf32>,
        tpu.vector_store %arg10[%parallel_loop3A_529], %parallel_loop3A_528 {strides = array<i32>} : memref<1024xf32, #tpu.memory_space<vmem>>, vector<16xf32>,
      } {sc.loop_unroll_factor = 8 : i64, sc.parallel_access}
      %dma_start3A_287 = tpu.memref_slice %arg4[%add3A_279, %add3A, %mul3A_190] : memref<50x32x16384xf32, #tpu.memory_space<hbm>> -> memref<1x1x1024xf32, #tpu.memory_space<hbm>>
      %dma_start3A_288 = tpu.memref_squeeze %dma_start3A_287 : memref<1x1x1024xf32, #tpu.memory_space<hbm>> -> memref<1024xf32, #tpu.memory_space<hbm>>
      %dma_start3A_289 = tpu.memref_slice %arg4[%add3A_279, %add3A, %mul3A_190] : memref<50x32x16384xf32, #tpu.memory_space<hbm>> -> memref<1x1x1024xf32, #tpu.memory_space<hbm>>
      %dma_start3A_290 = tpu.memref_squeeze %dma_start3A_289 : memref<1x1x1024xf32, #tpu.memory_space<hbm>> -> memref<1024xf32, #tpu.memory_space<hbm>>
      tpu.enqueue_dma source(%arg10 : memref<1024xf32, #tpu.memory_space<vmem>>) target(%dma_start3A_290 : memref<1024xf32, #tpu.memory_space<hbm>>) target_semaphore(%arg14 : memref<!tpu.dma_semaphore, #tpu.memory_space<semaphore_mem>>)
      %mul3A_291 = arith.constant 8 : i32
      %mul3A_292 = arith.muli %select_n3A_172, %mul3A_291 : i32
      %add3A_293 = arith.constant 7 : i32
      %add3A_294 = arith.addi %mul3A_292, %add3A_293 : i32
      %dma_wait3A_295 = tpu.memref_slice %arg4[%add3A_294, %add3A, %mul3A_190] : memref<50x32x16384xf32, #tpu.memory_space<hbm>> -> memref<1x1x1024xf32, #tpu.memory_space<hbm>>
      %dma_wait3A_296 = tpu.memref_squeeze %dma_wait3A_295 : memref<1x1x1024xf32, #tpu.memory_space<hbm>> -> memref<1024xf32, #tpu.memory_space<hbm>>
      %dma_wait3A_297 = tpu.memref_slice %arg4[%add3A_294, %add3A, %mul3A_190] : memref<50x32x16384xf32, #tpu.memory_space<hbm>> -> memref<1x1x1024xf32, #tpu.memory_space<hbm>>
      %dma_wait3A_298 = tpu.memref_squeeze %dma_wait3A_297 : memref<1x1x1024xf32, #tpu.memory_space<hbm>> -> memref<1024xf32, #tpu.memory_space<hbm>>
      tpu.wait_dma2 semaphore(%arg15 : memref<!tpu.dma_semaphore, #tpu.memory_space<semaphore_mem>>) src(%arg11 : memref<1024xf32, #tpu.memory_space<vmem>>) dst(%dma_wait3A_298 : memref<1024xf32, #tpu.memory_space<hbm>>)
      %parallel_loop3A_299 = arith.constant 0 : i32
      %parallel_loop3A_300 = arith.constant 1024 : i32
      %parallel_loop3A_301 = arith.constant 16 : i32
      scf.for %parallel_loop3A_523 = %parallel_loop3A_299 to %parallel_loop3A_300 step %parallel_loop3A_301  : i32 {
        %parallel_loop3A_524 = arith.constant 7 : i32
        %parallel_loop3A_525 = arith.index_cast %parallel_loop3A_524 : i32 to index
        %parallel_loop3A_526 = arith.index_cast %parallel_loop3A_523 : i32 to index
        %parallel_loop3A_527 = tpu.vector_load %arg6[%parallel_loop3A_525, %parallel_loop3A_526] {strides = array<i32>} : memref<8x1024xi32, #tpu.memory_space<vmem>>, vector<16xi32>,
        %parallel_loop3A_528 = tpu.vector_load_idx %arg5[%parallel_loop3A_527] : memref<100000xf32, #tpu.memory_space<vmem>>[vector<16xi32>], vector<16xf32>,
        %parallel_loop3A_529 = arith.index_cast %parallel_loop3A_523 : i32 to index
        %parallel_loop3A_530 = tpu.vector_load %arg11[%parallel_loop3A_529] {strides = array<i32>} : memref<1024xf32, #tpu.memory_space<vmem>>, vector<16xf32>,
        tpu.vector_store %arg11[%parallel_loop3A_529], %parallel_loop3A_528 {strides = array<i32>} : memref<1024xf32, #tpu.memory_space<vmem>>, vector<16xf32>,
      } {sc.loop_unroll_factor = 8 : i64, sc.parallel_access}
      %dma_start3A_302 = tpu.memref_slice %arg4[%add3A_294, %add3A, %mul3A_190] : memref<50x32x16384xf32, #tpu.memory_space<hbm>> -> memref<1x1x1024xf32, #tpu.memory_space<hbm>>
      %dma_start3A_303 = tpu.memref_squeeze %dma_start3A_302 : memref<1x1x1024xf32, #tpu.memory_space<hbm>> -> memref<1024xf32, #tpu.memory_space<hbm>>
      %dma_start3A_304 = tpu.memref_slice %arg4[%add3A_294, %add3A, %mul3A_190] : memref<50x32x16384xf32, #tpu.memory_space<hbm>> -> memref<1x1x1024xf32, #tpu.memory_space<hbm>>
      %dma_start3A_305 = tpu.memref_squeeze %dma_start3A_304 : memref<1x1x1024xf32, #tpu.memory_space<hbm>> -> memref<1024xf32, #tpu.memory_space<hbm>>
      tpu.enqueue_dma source(%arg11 : memref<1024xf32, #tpu.memory_space<vmem>>) target(%dma_start3A_305 : memref<1024xf32, #tpu.memory_space<hbm>>) target_semaphore(%arg15 : memref<!tpu.dma_semaphore, #tpu.memory_space<semaphore_mem>>)
      %add3A_306 = arith.constant 1 : i32
      %add3A_307 = arith.addi %mul3A_63, %add3A_306 : i32
      %jit3A_308 = arith.constant 16 : i32
      %div3A_309 = arith.divsi %add3A_307, %jit3A_308 : i32
      %sign3A_310 = arith.constant 0 : i32
      %sign3A_311 = arith.cmpi sgt, %add3A_307, %sign3A_310 : i32
      %sign3A_312 = arith.extui %sign3A_311 : i1 to i32
      %sign3A_313 = arith.constant 0 : i32
      %sign3A_314 = arith.cmpi slt, %add3A_307, %sign3A_313 : i32
      %sign3A_315 = arith.extui %sign3A_314 : i1 to i32
      %sign3A_316 = arith.subi %sign3A_312, %sign3A_315 : i32
      %sign3A_317 = arith.constant 0 : i32
      %sign3A_318 = arith.cmpi sgt, %jit3A_308, %sign3A_317 : i32
      %sign3A_319 = arith.extui %sign3A_318 : i1 to i32
      %sign3A_320 = arith.constant 0 : i32
      %sign3A_321 = arith.cmpi slt, %jit3A_308, %sign3A_320 : i32
      %sign3A_322 = arith.extui %sign3A_321 : i1 to i32
      %sign3A_323 = arith.subi %sign3A_319, %sign3A_322 : i32
      %ne3A_324 = arith.cmpi ne, %sign3A_316, %sign3A_323 : i32
      %rem3A_325 = arith.remsi %add3A_307, %jit3A_308 : i32
      %ne3A_326 = arith.constant 0 : i32
      %ne3A_327 = arith.cmpi ne, %rem3A_325, %ne3A_326 : i32
      %and3A_328 = arith.andi %ne3A_324, %ne3A_327 : i1
      %sub3A_329 = arith.constant 1 : i32
      %sub3A_330 = arith.subi %div3A_309, %sub3A_329 : i32
      %select_n3A_331 = arith.select %and3A_328, %sub3A_330, %div3A_309 : i32
      %jit3A_332 = arith.constant 16 : i32
      %eq3A_333 = arith.constant 0 : i32
      %eq3A_334 = arith.cmpi eq, %jit3A_332, %eq3A_333 : i32
      %jit3A_335 = arith.constant 1 : i32
      %select_n3A_336 = arith.select %eq3A_334, %jit3A_335, %jit3A_332 : i32
      %rem3A_337 = arith.remsi %add3A_307, %select_n3A_336 : i32
      %ne3A_338 = arith.constant 0 : i32
      %ne3A_339 = arith.cmpi ne, %rem3A_337, %ne3A_338 : i32
      %lt3A_340 = arith.constant 0 : i32
      %lt3A_341 = arith.cmpi slt, %rem3A_337, %lt3A_340 : i32
      %lt3A_342 = arith.constant 0 : i32
      %lt3A_343 = arith.cmpi slt, %select_n3A_336, %lt3A_342 : i32
      %ne3A_344 = arith.xori %lt3A_341, %lt3A_343 : i1
      %and3A_345 = arith.andi %ne3A_344, %ne3A_339 : i1
      %add3A_346 = arith.addi %rem3A_337, %select_n3A_336 : i32
      %select_n3A_347 = arith.select %and3A_345, %add3A_346, %rem3A_337 : i32
      %mul3A_348 = arith.constant 1024 : i32
      %mul3A_349 = arith.muli %select_n3A_347, %mul3A_348 : i32
      %mul3A_350 = arith.constant 8 : i32
      %mul3A_351 = arith.muli %select_n3A_331, %mul3A_350 : i32
      %dma_wait3A_352 = tpu.memref_slice %arg2[%mul3A_351, %mul3A_349] : memref<50x16384xi32, #tpu.memory_space<hbm>> -> memref<8x1024xi32, #tpu.memory_space<hbm>>
      %dma_wait3A_353 = tpu.memref_slice %arg2[%mul3A_351, %mul3A_349] : memref<50x16384xi32, #tpu.memory_space<hbm>> -> memref<8x1024xi32, #tpu.memory_space<hbm>>
      tpu.wait_dma2 semaphore(%arg13 : memref<!tpu.dma_semaphore, #tpu.memory_space<semaphore_mem>>) src(%dma_wait3A_353 : memref<8x1024xi32, #tpu.memory_space<hbm>>) dst(%arg7 : memref<8x1024xi32, #tpu.memory_space<vmem>>)
      %lt3A_354 = arith.constant 47 : i32
      %lt3A_355 = arith.cmpi slt, %scan3A_61, %lt3A_354 : i32
      %convert_element_type3A_356 = arith.extui %lt3A_355 : i1 to i32
      %cond3A_357 = arith.constant 0 : i32
      %cond3A_358 = arith.cmpi ne, %convert_element_type3A_356, %cond3A_357 : i32
      scf.if %cond3A_358 {
        %add3A_523 = arith.constant 2 : i32
        %add3A_524 = arith.addi %mul3A_63, %add3A_523 : i32
        %jit3A_525 = arith.constant 16 : i32
        %div3A_526 = arith.divsi %add3A_524, %jit3A_525 : i32
        %sign3A_527 = arith.constant 0 : i32
        %sign3A_528 = arith.cmpi sgt, %add3A_524, %sign3A_527 : i32
        %sign3A_529 = arith.extui %sign3A_528 : i1 to i32
        %sign3A_530 = arith.constant 0 : i32
        %sign3A_531 = arith.cmpi slt, %add3A_524, %sign3A_530 : i32
        %sign3A_532 = arith.extui %sign3A_531 : i1 to i32
        %sign3A_533 = arith.subi %sign3A_529, %sign3A_532 : i32
        %sign3A_534 = arith.constant 0 : i32
        %sign3A_535 = arith.cmpi sgt, %jit3A_525, %sign3A_534 : i32
        %sign3A_536 = arith.extui %sign3A_535 : i1 to i32
        %sign3A_537 = arith.constant 0 : i32
        %sign3A_538 = arith.cmpi slt, %jit3A_525, %sign3A_537 : i32
        %sign3A_539 = arith.extui %sign3A_538 : i1 to i32
        %sign3A_540 = arith.subi %sign3A_536, %sign3A_539 : i32
        %ne3A_541 = arith.cmpi ne, %sign3A_533, %sign3A_540 : i32
        %rem3A_542 = arith.remsi %add3A_524, %jit3A_525 : i32
        %ne3A_543 = arith.constant 0 : i32
        %ne3A_544 = arith.cmpi ne, %rem3A_542, %ne3A_543 : i32
        %and3A_545 = arith.andi %ne3A_541, %ne3A_544 : i1
        %sub3A_546 = arith.constant 1 : i32
        %sub3A_547 = arith.subi %div3A_526, %sub3A_546 : i32
        %select_n3A_548 = arith.select %and3A_545, %sub3A_547, %div3A_526 : i32
        %jit3A_549 = arith.constant 16 : i32
        %eq3A_550 = arith.constant 0 : i32
        %eq3A_551 = arith.cmpi eq, %jit3A_549, %eq3A_550 : i32
        %jit3A_552 = arith.constant 1 : i32
        %select_n3A_553 = arith.select %eq3A_551, %jit3A_552, %jit3A_549 : i32
        %rem3A_554 = arith.remsi %add3A_524, %select_n3A_553 : i32
        %ne3A_555 = arith.constant 0 : i32
        %ne3A_556 = arith.cmpi ne, %rem3A_554, %ne3A_555 : i32
        %lt3A_557 = arith.constant 0 : i32
        %lt3A_558 = arith.cmpi slt, %rem3A_554, %lt3A_557 : i32
        %lt3A_559 = arith.constant 0 : i32
        %lt3A_560 = arith.cmpi slt, %select_n3A_553, %lt3A_559 : i32
        %ne3A_561 = arith.xori %lt3A_558, %lt3A_560 : i1
        %and3A_562 = arith.andi %ne3A_561, %ne3A_556 : i1
        %add3A_563 = arith.addi %rem3A_554, %select_n3A_553 : i32
        %select_n3A_564 = arith.select %and3A_562, %add3A_563, %rem3A_554 : i32
        %mul3A_565 = arith.constant 1024 : i32
        %mul3A_566 = arith.muli %select_n3A_564, %mul3A_565 : i32
        %mul3A_567 = arith.constant 8 : i32
        %mul3A_568 = arith.muli %select_n3A_548, %mul3A_567 : i32
        %dma_start3A_569 = tpu.memref_slice %arg2[%mul3A_568, %mul3A_566] : memref<50x16384xi32, #tpu.memory_space<hbm>> -> memref<8x1024xi32, #tpu.memory_space<hbm>>
        %dma_start3A_570 = tpu.memref_slice %arg2[%mul3A_568, %mul3A_566] : memref<50x16384xi32, #tpu.memory_space<hbm>> -> memref<8x1024xi32, #tpu.memory_space<hbm>>
        tpu.enqueue_dma source(%dma_start3A_570 : memref<8x1024xi32, #tpu.memory_space<hbm>>) target(%arg6 : memref<8x1024xi32, #tpu.memory_space<vmem>>) target_semaphore(%arg12 : memref<!tpu.dma_semaphore, #tpu.memory_space<semaphore_mem>>)
      } else {
      }
      %add3A_359 = arith.constant 1 : i32
      %add3A_360 = arith.addi %mul3A_63, %add3A_359 : i32
      %jit3A_361 = arith.constant 16 : i32
      %div3A_362 = arith.divsi %add3A_360, %jit3A_361 : i32
      %sign3A_363 = arith.constant 0 : i32
      %sign3A_364 = arith.cmpi sgt, %add3A_360, %sign3A_363 : i32
      %sign3A_365 = arith.extui %sign3A_364 : i1 to i32
      %sign3A_366 = arith.constant 0 : i32
      %sign3A_367 = arith.cmpi slt, %add3A_360, %sign3A_366 : i32
      %sign3A_368 = arith.extui %sign3A_367 : i1 to i32
      %sign3A_369 = arith.subi %sign3A_365, %sign3A_368 : i32
      %sign3A_370 = arith.constant 0 : i32
      %sign3A_371 = arith.cmpi sgt, %jit3A_361, %sign3A_370 : i32
      %sign3A_372 = arith.extui %sign3A_371 : i1 to i32
      %sign3A_373 = arith.constant 0 : i32
      %sign3A_374 = arith.cmpi slt, %jit3A_361, %sign3A_373 : i32
      %sign3A_375 = arith.extui %sign3A_374 : i1 to i32
      %sign3A_376 = arith.subi %sign3A_372, %sign3A_375 : i32
      %ne3A_377 = arith.cmpi ne, %sign3A_369, %sign3A_376 : i32
      %rem3A_378 = arith.remsi %add3A_360, %jit3A_361 : i32
      %ne3A_379 = arith.constant 0 : i32
      %ne3A_380 = arith.cmpi ne, %rem3A_378, %ne3A_379 : i32
      %and3A_381 = arith.andi %ne3A_377, %ne3A_380 : i1
      %sub3A_382 = arith.constant 1 : i32
      %sub3A_383 = arith.subi %div3A_362, %sub3A_382 : i32
      %select_n3A_384 = arith.select %and3A_381, %sub3A_383, %div3A_362 : i32
      %jit3A_385 = arith.constant 16 : i32
      %eq3A_386 = arith.constant 0 : i32
      %eq3A_387 = arith.cmpi eq, %jit3A_385, %eq3A_386 : i32
      %jit3A_388 = arith.constant 1 : i32
      %select_n3A_389 = arith.select %eq3A_387, %jit3A_388, %jit3A_385 : i32
      %rem3A_390 = arith.remsi %add3A_360, %select_n3A_389 : i32
      %ne3A_391 = arith.constant 0 : i32
      %ne3A_392 = arith.cmpi ne, %rem3A_390, %ne3A_391 : i32
      %lt3A_393 = arith.constant 0 : i32
      %lt3A_394 = arith.cmpi slt, %rem3A_390, %lt3A_393 : i32
      %lt3A_395 = arith.constant 0 : i32
      %lt3A_396 = arith.cmpi slt, %select_n3A_389, %lt3A_395 : i32
      %ne3A_397 = arith.xori %lt3A_394, %lt3A_396 : i1
      %and3A_398 = arith.andi %ne3A_397, %ne3A_392 : i1
      %add3A_399 = arith.addi %rem3A_390, %select_n3A_389 : i32
      %select_n3A_400 = arith.select %and3A_398, %add3A_399, %rem3A_390 : i32
      %mul3A_401 = arith.constant 1024 : i32
      %mul3A_402 = arith.muli %select_n3A_400, %mul3A_401 : i32
      %mul3A_403 = arith.constant 8 : i32
      %mul3A_404 = arith.muli %select_n3A_384, %mul3A_403 : i32
      %add3A_405 = arith.constant 0 : i32
      %add3A_406 = arith.addi %mul3A_404, %add3A_405 : i32
      %dma_wait3A_407 = tpu.memref_slice %arg4[%add3A_406, %add3A, %mul3A_402] : memref<50x32x16384xf32, #tpu.memory_space<hbm>> -> memref<1x1x1024xf32, #tpu.memory_space<hbm>>
      %dma_wait3A_408 = tpu.memref_squeeze %dma_wait3A_407 : memref<1x1x1024xf32, #tpu.memory_space<hbm>> -> memref<1024xf32, #tpu.memory_space<hbm>>
      %dma_wait3A_409 = tpu.memref_slice %arg4[%add3A_406, %add3A, %mul3A_402] : memref<50x32x16384xf32, #tpu.memory_space<hbm>> -> memref<1x1x1024xf32, #tpu.memory_space<hbm>>
      %dma_wait3A_410 = tpu.memref_squeeze %dma_wait3A_409 : memref<1x1x1024xf32, #tpu.memory_space<hbm>> -> memref<1024xf32, #tpu.memory_space<hbm>>
      tpu.wait_dma2 semaphore(%arg14 : memref<!tpu.dma_semaphore, #tpu.memory_space<semaphore_mem>>) src(%arg10 : memref<1024xf32, #tpu.memory_space<vmem>>) dst(%dma_wait3A_410 : memref<1024xf32, #tpu.memory_space<hbm>>)
      %parallel_loop3A_411 = arith.constant 0 : i32
      %parallel_loop3A_412 = arith.constant 1024 : i32
      %parallel_loop3A_413 = arith.constant 16 : i32
      scf.for %parallel_loop3A_523 = %parallel_loop3A_411 to %parallel_loop3A_412 step %parallel_loop3A_413  : i32 {
        %parallel_loop3A_524 = arith.constant 0 : i32
        %parallel_loop3A_525 = arith.index_cast %parallel_loop3A_524 : i32 to index
        %parallel_loop3A_526 = arith.index_cast %parallel_loop3A_523 : i32 to index
        %parallel_loop3A_527 = tpu.vector_load %arg7[%parallel_loop3A_525, %parallel_loop3A_526] {strides = array<i32>} : memref<8x1024xi32, #tpu.memory_space<vmem>>, vector<16xi32>,
        %parallel_loop3A_528 = tpu.vector_load_idx %arg5[%parallel_loop3A_527] : memref<100000xf32, #tpu.memory_space<vmem>>[vector<16xi32>], vector<16xf32>,
        %parallel_loop3A_529 = arith.index_cast %parallel_loop3A_523 : i32 to index
        %parallel_loop3A_530 = tpu.vector_load %arg10[%parallel_loop3A_529] {strides = array<i32>} : memref<1024xf32, #tpu.memory_space<vmem>>, vector<16xf32>,
        tpu.vector_store %arg10[%parallel_loop3A_529], %parallel_loop3A_528 {strides = array<i32>} : memref<1024xf32, #tpu.memory_space<vmem>>, vector<16xf32>,
      } {sc.loop_unroll_factor = 8 : i64, sc.parallel_access}
      %dma_start3A_414 = tpu.memref_slice %arg4[%add3A_406, %add3A, %mul3A_402] : memref<50x32x16384xf32, #tpu.memory_space<hbm>> -> memref<1x1x1024xf32, #tpu.memory_space<hbm>>
      %dma_start3A_415 = tpu.memref_squeeze %dma_start3A_414 : memref<1x1x1024xf32, #tpu.memory_space<hbm>> -> memref<1024xf32, #tpu.memory_space<hbm>>
      %dma_start3A_416 = tpu.memref_slice %arg4[%add3A_406, %add3A, %mul3A_402] : memref<50x32x16384xf32, #tpu.memory_space<hbm>> -> memref<1x1x1024xf32, #tpu.memory_space<hbm>>
      %dma_start3A_417 = tpu.memref_squeeze %dma_start3A_416 : memref<1x1x1024xf32, #tpu.memory_space<hbm>> -> memref<1024xf32, #tpu.memory_space<hbm>>
      tpu.enqueue_dma source(%arg10 : memref<1024xf32, #tpu.memory_space<vmem>>) target(%dma_start3A_417 : memref<1024xf32, #tpu.memory_space<hbm>>) target_semaphore(%arg14 : memref<!tpu.dma_semaphore, #tpu.memory_space<semaphore_mem>>)
      %mul3A_418 = arith.constant 8 : i32
      %mul3A_419 = arith.muli %select_n3A_384, %mul3A_418 : i32
      %add3A_420 = arith.constant 1 : i32
      %add3A_421 = arith.addi %mul3A_419, %add3A_420 : i32
      %dma_wait3A_422 = tpu.memref_slice %arg4[%add3A_421, %add3A, %mul3A_402] : memref<50x32x16384xf32, #tpu.memory_space<hbm>> -> memref<1x1x1024xf32, #tpu.memory_space<hbm>>
      %dma_wait3A_423 = tpu.memref_squeeze %dma_wait3A_422 : memref<1x1x1024xf32, #tpu.memory_space<hbm>> -> memref<1024xf32, #tpu.memory_space<hbm>>
      %dma_wait3A_424 = tpu.memref_slice %arg4[%add3A_421, %add3A, %mul3A_402] : memref<50x32x16384xf32, #tpu.memory_space<hbm>> -> memref<1x1x1024xf32, #tpu.memory_space<hbm>>
      %dma_wait3A_425 = tpu.memref_squeeze %dma_wait3A_424 : memref<1x1x1024xf32, #tpu.memory_space<hbm>> -> memref<1024xf32, #tpu.memory_space<hbm>>
      tpu.wait_dma2 semaphore(%arg15 : memref<!tpu.dma_semaphore, #tpu.memory_space<semaphore_mem>>) src(%arg11 : memref<1024xf32, #tpu.memory_space<vmem>>) dst(%dma_wait3A_425 : memref<1024xf32, #tpu.memory_space<hbm>>)
      %parallel_loop3A_426 = arith.constant 0 : i32
      %parallel_loop3A_427 = arith.constant 1024 : i32
      %parallel_loop3A_428 = arith.constant 16 : i32
      scf.for %parallel_loop3A_523 = %parallel_loop3A_426 to %parallel_loop3A_427 step %parallel_loop3A_428  : i32 {
        %parallel_loop3A_524 = arith.constant 1 : i32
        %parallel_loop3A_525 = arith.index_cast %parallel_loop3A_524 : i32 to index
        %parallel_loop3A_526 = arith.index_cast %parallel_loop3A_523 : i32 to index
        %parallel_loop3A_527 = tpu.vector_load %arg7[%parallel_loop3A_525, %parallel_loop3A_526] {strides = array<i32>} : memref<8x1024xi32, #tpu.memory_space<vmem>>, vector<16xi32>,
        %parallel_loop3A_528 = tpu.vector_load_idx %arg5[%parallel_loop3A_527] : memref<100000xf32, #tpu.memory_space<vmem>>[vector<16xi32>], vector<16xf32>,
        %parallel_loop3A_529 = arith.index_cast %parallel_loop3A_523 : i32 to index
        %parallel_loop3A_530 = tpu.vector_load %arg11[%parallel_loop3A_529] {strides = array<i32>} : memref<1024xf32, #tpu.memory_space<vmem>>, vector<16xf32>,
        tpu.vector_store %arg11[%parallel_loop3A_529], %parallel_loop3A_528 {strides = array<i32>} : memref<1024xf32, #tpu.memory_space<vmem>>, vector<16xf32>,
      } {sc.loop_unroll_factor = 8 : i64, sc.parallel_access}
      %dma_start3A_429 = tpu.memref_slice %arg4[%add3A_421, %add3A, %mul3A_402] : memref<50x32x16384xf32, #tpu.memory_space<hbm>> -> memref<1x1x1024xf32, #tpu.memory_space<hbm>>
      %dma_start3A_430 = tpu.memref_squeeze %dma_start3A_429 : memref<1x1x1024xf32, #tpu.memory_space<hbm>> -> memref<1024xf32, #tpu.memory_space<hbm>>
      %dma_start3A_431 = tpu.memref_slice %arg4[%add3A_421, %add3A, %mul3A_402] : memref<50x32x16384xf32, #tpu.memory_space<hbm>> -> memref<1x1x1024xf32, #tpu.memory_space<hbm>>
      %dma_start3A_432 = tpu.memref_squeeze %dma_start3A_431 : memref<1x1x1024xf32, #tpu.memory_space<hbm>> -> memref<1024xf32, #tpu.memory_space<hbm>>
      tpu.enqueue_dma source(%arg11 : memref<1024xf32, #tpu.memory_space<vmem>>) target(%dma_start3A_432 : memref<1024xf32, #tpu.memory_space<hbm>>) target_semaphore(%arg15 : memref<!tpu.dma_semaphore, #tpu.memory_space<semaphore_mem>>)
      %mul3A_433 = arith.constant 8 : i32
      %mul3A_434 = arith.muli %select_n3A_384, %mul3A_433 : i32
      %add3A_435 = arith.constant 2 : i32
      %add3A_436 = arith.addi %mul3A_434, %add3A_435 : i32
      %dma_wait3A_437 = tpu.memref_slice %arg4[%add3A_436, %add3A, %mul3A_402] : memref<50x32x16384xf32, #tpu.memory_space<hbm>> -> memref<1x1x1024xf32, #tpu.memory_space<hbm>>
      %dma_wait3A_438 = tpu.memref_squeeze %dma_wait3A_437 : memref<1x1x1024xf32, #tpu.memory_space<hbm>> -> memref<1024xf32, #tpu.memory_space<hbm>>
      %dma_wait3A_439 = tpu.memref_slice %arg4[%add3A_436, %add3A, %mul3A_402] : memref<50x32x16384xf32, #tpu.memory_space<hbm>> -> memref<1x1x1024xf32, #tpu.memory_space<hbm>>
      %dma_wait3A_440 = tpu.memref_squeeze %dma_wait3A_439 : memref<1x1x1024xf32, #tpu.memory_space<hbm>> -> memref<1024xf32, #tpu.memory_space<hbm>>
      tpu.wait_dma2 semaphore(%arg14 : memref<!tpu.dma_semaphore, #tpu.memory_space<semaphore_mem>>) src(%arg10 : memref<1024xf32, #tpu.memory_space<vmem>>) dst(%dma_wait3A_440 : memref<1024xf32, #tpu.memory_space<hbm>>)
      %parallel_loop3A_441 = arith.constant 0 : i32
      %parallel_loop3A_442 = arith.constant 1024 : i32
      %parallel_loop3A_443 = arith.constant 16 : i32
      scf.for %parallel_loop3A_523 = %parallel_loop3A_441 to %parallel_loop3A_442 step %parallel_loop3A_443  : i32 {
        %parallel_loop3A_524 = arith.constant 2 : i32
        %parallel_loop3A_525 = arith.index_cast %parallel_loop3A_524 : i32 to index
        %parallel_loop3A_526 = arith.index_cast %parallel_loop3A_523 : i32 to index
        %parallel_loop3A_527 = tpu.vector_load %arg7[%parallel_loop3A_525, %parallel_loop3A_526] {strides = array<i32>} : memref<8x1024xi32, #tpu.memory_space<vmem>>, vector<16xi32>,
        %parallel_loop3A_528 = tpu.vector_load_idx %arg5[%parallel_loop3A_527] : memref<100000xf32, #tpu.memory_space<vmem>>[vector<16xi32>], vector<16xf32>,
        %parallel_loop3A_529 = arith.index_cast %parallel_loop3A_523 : i32 to index
        %parallel_loop3A_530 = tpu.vector_load %arg10[%parallel_loop3A_529] {strides = array<i32>} : memref<1024xf32, #tpu.memory_space<vmem>>, vector<16xf32>,
        tpu.vector_store %arg10[%parallel_loop3A_529], %parallel_loop3A_528 {strides = array<i32>} : memref<1024xf32, #tpu.memory_space<vmem>>, vector<16xf32>,
      } {sc.loop_unroll_factor = 8 : i64, sc.parallel_access}
      %dma_start3A_444 = tpu.memref_slice %arg4[%add3A_436, %add3A, %mul3A_402] : memref<50x32x16384xf32, #tpu.memory_space<hbm>> -> memref<1x1x1024xf32, #tpu.memory_space<hbm>>
      %dma_start3A_445 = tpu.memref_squeeze %dma_start3A_444 : memref<1x1x1024xf32, #tpu.memory_space<hbm>> -> memref<1024xf32, #tpu.memory_space<hbm>>
      %dma_start3A_446 = tpu.memref_slice %arg4[%add3A_436, %add3A, %mul3A_402] : memref<50x32x16384xf32, #tpu.memory_space<hbm>> -> memref<1x1x1024xf32, #tpu.memory_space<hbm>>
      %dma_start3A_447 = tpu.memref_squeeze %dma_start3A_446 : memref<1x1x1024xf32, #tpu.memory_space<hbm>> -> memref<1024xf32, #tpu.memory_space<hbm>>
      tpu.enqueue_dma source(%arg10 : memref<1024xf32, #tpu.memory_space<vmem>>) target(%dma_start3A_447 : memref<1024xf32, #tpu.memory_space<hbm>>) target_semaphore(%arg14 : memref<!tpu.dma_semaphore, #tpu.memory_space<semaphore_mem>>)
      %mul3A_448 = arith.constant 8 : i32
      %mul3A_449 = arith.muli %select_n3A_384, %mul3A_448 : i32
      %add3A_450 = arith.constant 3 : i32
      %add3A_451 = arith.addi %mul3A_449, %add3A_450 : i32
      %dma_wait3A_452 = tpu.memref_slice %arg4[%add3A_451, %add3A, %mul3A_402] : memref<50x32x16384xf32, #tpu.memory_space<hbm>> -> memref<1x1x1024xf32, #tpu.memory_space<hbm>>
      %dma_wait3A_453 = tpu.memref_squeeze %dma_wait3A_452 : memref<1x1x1024xf32, #tpu.memory_space<hbm>> -> memref<1024xf32, #tpu.memory_space<hbm>>
      %dma_wait3A_454 = tpu.memref_slice %arg4[%add3A_451, %add3A, %mul3A_402] : memref<50x32x16384xf32, #tpu.memory_space<hbm>> -> memref<1x1x1024xf32, #tpu.memory_space<hbm>>
      %dma_wait3A_455 = tpu.memref_squeeze %dma_wait3A_454 : memref<1x1x1024xf32, #tpu.memory_space<hbm>> -> memref<1024xf32, #tpu.memory_space<hbm>>
      tpu.wait_dma2 semaphore(%arg15 : memref<!tpu.dma_semaphore, #tpu.memory_space<semaphore_mem>>) src(%arg11 : memref<1024xf32, #tpu.memory_space<vmem>>) dst(%dma_wait3A_455 : memref<1024xf32, #tpu.memory_space<hbm>>)
      %parallel_loop3A_456 = arith.constant 0 : i32
      %parallel_loop3A_457 = arith.constant 1024 : i32
      %parallel_loop3A_458 = arith.constant 16 : i32
      scf.for %parallel_loop3A_523 = %parallel_loop3A_456 to %parallel_loop3A_457 step %parallel_loop3A_458  : i32 {
        %parallel_loop3A_524 = arith.constant 3 : i32
        %parallel_loop3A_525 = arith.index_cast %parallel_loop3A_524 : i32 to index
        %parallel_loop3A_526 = arith.index_cast %parallel_loop3A_523 : i32 to index
        %parallel_loop3A_527 = tpu.vector_load %arg7[%parallel_loop3A_525, %parallel_loop3A_526] {strides = array<i32>} : memref<8x1024xi32, #tpu.memory_space<vmem>>, vector<16xi32>,
        %parallel_loop3A_528 = tpu.vector_load_idx %arg5[%parallel_loop3A_527] : memref<100000xf32, #tpu.memory_space<vmem>>[vector<16xi32>], vector<16xf32>,
        %parallel_loop3A_529 = arith.index_cast %parallel_loop3A_523 : i32 to index
        %parallel_loop3A_530 = tpu.vector_load %arg11[%parallel_loop3A_529] {strides = array<i32>} : memref<1024xf32, #tpu.memory_space<vmem>>, vector<16xf32>,
        tpu.vector_store %arg11[%parallel_loop3A_529], %parallel_loop3A_528 {strides = array<i32>} : memref<1024xf32, #tpu.memory_space<vmem>>, vector<16xf32>,
      } {sc.loop_unroll_factor = 8 : i64, sc.parallel_access}
      %dma_start3A_459 = tpu.memref_slice %arg4[%add3A_451, %add3A, %mul3A_402] : memref<50x32x16384xf32, #tpu.memory_space<hbm>> -> memref<1x1x1024xf32, #tpu.memory_space<hbm>>
      %dma_start3A_460 = tpu.memref_squeeze %dma_start3A_459 : memref<1x1x1024xf32, #tpu.memory_space<hbm>> -> memref<1024xf32, #tpu.memory_space<hbm>>
      %dma_start3A_461 = tpu.memref_slice %arg4[%add3A_451, %add3A, %mul3A_402] : memref<50x32x16384xf32, #tpu.memory_space<hbm>> -> memref<1x1x1024xf32, #tpu.memory_space<hbm>>
      %dma_start3A_462 = tpu.memref_squeeze %dma_start3A_461 : memref<1x1x1024xf32, #tpu.memory_space<hbm>> -> memref<1024xf32, #tpu.memory_space<hbm>>
      tpu.enqueue_dma source(%arg11 : memref<1024xf32, #tpu.memory_space<vmem>>) target(%dma_start3A_462 : memref<1024xf32, #tpu.memory_space<hbm>>) target_semaphore(%arg15 : memref<!tpu.dma_semaphore, #tpu.memory_space<semaphore_mem>>)
      %mul3A_463 = arith.constant 8 : i32
      %mul3A_464 = arith.muli %select_n3A_384, %mul3A_463 : i32
      %add3A_465 = arith.constant 4 : i32
      %add3A_466 = arith.addi %mul3A_464, %add3A_465 : i32
      %dma_wait3A_467 = tpu.memref_slice %arg4[%add3A_466, %add3A, %mul3A_402] : memref<50x32x16384xf32, #tpu.memory_space<hbm>> -> memref<1x1x1024xf32, #tpu.memory_space<hbm>>
      %dma_wait3A_468 = tpu.memref_squeeze %dma_wait3A_467 : memref<1x1x1024xf32, #tpu.memory_space<hbm>> -> memref<1024xf32, #tpu.memory_space<hbm>>
      %dma_wait3A_469 = tpu.memref_slice %arg4[%add3A_466, %add3A, %mul3A_402] : memref<50x32x16384xf32, #tpu.memory_space<hbm>> -> memref<1x1x1024xf32, #tpu.memory_space<hbm>>
      %dma_wait3A_470 = tpu.memref_squeeze %dma_wait3A_469 : memref<1x1x1024xf32, #tpu.memory_space<hbm>> -> memref<1024xf32, #tpu.memory_space<hbm>>
      tpu.wait_dma2 semaphore(%arg14 : memref<!tpu.dma_semaphore, #tpu.memory_space<semaphore_mem>>) src(%arg10 : memref<1024xf32, #tpu.memory_space<vmem>>) dst(%dma_wait3A_470 : memref<1024xf32, #tpu.memory_space<hbm>>)
      %parallel_loop3A_471 = arith.constant 0 : i32
      %parallel_loop3A_472 = arith.constant 1024 : i32
      %parallel_loop3A_473 = arith.constant 16 : i32
      scf.for %parallel_loop3A_523 = %parallel_loop3A_471 to %parallel_loop3A_472 step %parallel_loop3A_473  : i32 {
        %parallel_loop3A_524 = arith.constant 4 : i32
        %parallel_loop3A_525 = arith.index_cast %parallel_loop3A_524 : i32 to index
        %parallel_loop3A_526 = arith.index_cast %parallel_loop3A_523 : i32 to index
        %parallel_loop3A_527 = tpu.vector_load %arg7[%parallel_loop3A_525, %parallel_loop3A_526] {strides = array<i32>} : memref<8x1024xi32, #tpu.memory_space<vmem>>, vector<16xi32>,
        %parallel_loop3A_528 = tpu.vector_load_idx %arg5[%parallel_loop3A_527] : memref<100000xf32, #tpu.memory_space<vmem>>[vector<16xi32>], vector<16xf32>,
        %parallel_loop3A_529 = arith.index_cast %parallel_loop3A_523 : i32 to index
        %parallel_loop3A_530 = tpu.vector_load %arg10[%parallel_loop3A_529] {strides = array<i32>} : memref<1024xf32, #tpu.memory_space<vmem>>, vector<16xf32>,
        tpu.vector_store %arg10[%parallel_loop3A_529], %parallel_loop3A_528 {strides = array<i32>} : memref<1024xf32, #tpu.memory_space<vmem>>, vector<16xf32>,
      } {sc.loop_unroll_factor = 8 : i64, sc.parallel_access}
      %dma_start3A_474 = tpu.memref_slice %arg4[%add3A_466, %add3A, %mul3A_402] : memref<50x32x16384xf32, #tpu.memory_space<hbm>> -> memref<1x1x1024xf32, #tpu.memory_space<hbm>>
      %dma_start3A_475 = tpu.memref_squeeze %dma_start3A_474 : memref<1x1x1024xf32, #tpu.memory_space<hbm>> -> memref<1024xf32, #tpu.memory_space<hbm>>
      %dma_start3A_476 = tpu.memref_slice %arg4[%add3A_466, %add3A, %mul3A_402] : memref<50x32x16384xf32, #tpu.memory_space<hbm>> -> memref<1x1x1024xf32, #tpu.memory_space<hbm>>
      %dma_start3A_477 = tpu.memref_squeeze %dma_start3A_476 : memref<1x1x1024xf32, #tpu.memory_space<hbm>> -> memref<1024xf32, #tpu.memory_space<hbm>>
      tpu.enqueue_dma source(%arg10 : memref<1024xf32, #tpu.memory_space<vmem>>) target(%dma_start3A_477 : memref<1024xf32, #tpu.memory_space<hbm>>) target_semaphore(%arg14 : memref<!tpu.dma_semaphore, #tpu.memory_space<semaphore_mem>>)
      %mul3A_478 = arith.constant 8 : i32
      %mul3A_479 = arith.muli %select_n3A_384, %mul3A_478 : i32
      %add3A_480 = arith.constant 5 : i32
      %add3A_481 = arith.addi %mul3A_479, %add3A_480 : i32
      %dma_wait3A_482 = tpu.memref_slice %arg4[%add3A_481, %add3A, %mul3A_402] : memref<50x32x16384xf32, #tpu.memory_space<hbm>> -> memref<1x1x1024xf32, #tpu.memory_space<hbm>>
      %dma_wait3A_483 = tpu.memref_squeeze %dma_wait3A_482 : memref<1x1x1024xf32, #tpu.memory_space<hbm>> -> memref<1024xf32, #tpu.memory_space<hbm>>
      %dma_wait3A_484 = tpu.memref_slice %arg4[%add3A_481, %add3A, %mul3A_402] : memref<50x32x16384xf32, #tpu.memory_space<hbm>> -> memref<1x1x1024xf32, #tpu.memory_space<hbm>>
      %dma_wait3A_485 = tpu.memref_squeeze %dma_wait3A_484 : memref<1x1x1024xf32, #tpu.memory_space<hbm>> -> memref<1024xf32, #tpu.memory_space<hbm>>
      tpu.wait_dma2 semaphore(%arg15 : memref<!tpu.dma_semaphore, #tpu.memory_space<semaphore_mem>>) src(%arg11 : memref<1024xf32, #tpu.memory_space<vmem>>) dst(%dma_wait3A_485 : memref<1024xf32, #tpu.memory_space<hbm>>)
      %parallel_loop3A_486 = arith.constant 0 : i32
      %parallel_loop3A_487 = arith.constant 1024 : i32
      %parallel_loop3A_488 = arith.constant 16 : i32
      scf.for %parallel_loop3A_523 = %parallel_loop3A_486 to %parallel_loop3A_487 step %parallel_loop3A_488  : i32 {
        %parallel_loop3A_524 = arith.constant 5 : i32
        %parallel_loop3A_525 = arith.index_cast %parallel_loop3A_524 : i32 to index
        %parallel_loop3A_526 = arith.index_cast %parallel_loop3A_523 : i32 to index
        %parallel_loop3A_527 = tpu.vector_load %arg7[%parallel_loop3A_525, %parallel_loop3A_526] {strides = array<i32>} : memref<8x1024xi32, #tpu.memory_space<vmem>>, vector<16xi32>,
        %parallel_loop3A_528 = tpu.vector_load_idx %arg5[%parallel_loop3A_527] : memref<100000xf32, #tpu.memory_space<vmem>>[vector<16xi32>], vector<16xf32>,
        %parallel_loop3A_529 = arith.index_cast %parallel_loop3A_523 : i32 to index
        %parallel_loop3A_530 = tpu.vector_load %arg11[%parallel_loop3A_529] {strides = array<i32>} : memref<1024xf32, #tpu.memory_space<vmem>>, vector<16xf32>,
        tpu.vector_store %arg11[%parallel_loop3A_529], %parallel_loop3A_528 {strides = array<i32>} : memref<1024xf32, #tpu.memory_space<vmem>>, vector<16xf32>,
      } {sc.loop_unroll_factor = 8 : i64, sc.parallel_access}
      %dma_start3A_489 = tpu.memref_slice %arg4[%add3A_481, %add3A, %mul3A_402] : memref<50x32x16384xf32, #tpu.memory_space<hbm>> -> memref<1x1x1024xf32, #tpu.memory_space<hbm>>
      %dma_start3A_490 = tpu.memref_squeeze %dma_start3A_489 : memref<1x1x1024xf32, #tpu.memory_space<hbm>> -> memref<1024xf32, #tpu.memory_space<hbm>>
      %dma_start3A_491 = tpu.memref_slice %arg4[%add3A_481, %add3A, %mul3A_402] : memref<50x32x16384xf32, #tpu.memory_space<hbm>> -> memref<1x1x1024xf32, #tpu.memory_space<hbm>>
      %dma_start3A_492 = tpu.memref_squeeze %dma_start3A_491 : memref<1x1x1024xf32, #tpu.memory_space<hbm>> -> memref<1024xf32, #tpu.memory_space<hbm>>
      tpu.enqueue_dma source(%arg11 : memref<1024xf32, #tpu.memory_space<vmem>>) target(%dma_start3A_492 : memref<1024xf32, #tpu.memory_space<hbm>>) target_semaphore(%arg15 : memref<!tpu.dma_semaphore, #tpu.memory_space<semaphore_mem>>)
      %mul3A_493 = arith.constant 8 : i32
      %mul3A_494 = arith.muli %select_n3A_384, %mul3A_493 : i32
      %add3A_495 = arith.constant 6 : i32
      %add3A_496 = arith.addi %mul3A_494, %add3A_495 : i32
      %dma_wait3A_497 = tpu.memref_slice %arg4[%add3A_496, %add3A, %mul3A_402] : memref<50x32x16384xf32, #tpu.memory_space<hbm>> -> memref<1x1x1024xf32, #tpu.memory_space<hbm>>
      %dma_wait3A_498 = tpu.memref_squeeze %dma_wait3A_497 : memref<1x1x1024xf32, #tpu.memory_space<hbm>> -> memref<1024xf32, #tpu.memory_space<hbm>>
      %dma_wait3A_499 = tpu.memref_slice %arg4[%add3A_496, %add3A, %mul3A_402] : memref<50x32x16384xf32, #tpu.memory_space<hbm>> -> memref<1x1x1024xf32, #tpu.memory_space<hbm>>
      %dma_wait3A_500 = tpu.memref_squeeze %dma_wait3A_499 : memref<1x1x1024xf32, #tpu.memory_space<hbm>> -> memref<1024xf32, #tpu.memory_space<hbm>>
      tpu.wait_dma2 semaphore(%arg14 : memref<!tpu.dma_semaphore, #tpu.memory_space<semaphore_mem>>) src(%arg10 : memref<1024xf32, #tpu.memory_space<vmem>>) dst(%dma_wait3A_500 : memref<1024xf32, #tpu.memory_space<hbm>>)
      %parallel_loop3A_501 = arith.constant 0 : i32
      %parallel_loop3A_502 = arith.constant 1024 : i32
      %parallel_loop3A_503 = arith.constant 16 : i32
      scf.for %parallel_loop3A_523 = %parallel_loop3A_501 to %parallel_loop3A_502 step %parallel_loop3A_503  : i32 {
        %parallel_loop3A_524 = arith.constant 6 : i32
        %parallel_loop3A_525 = arith.index_cast %parallel_loop3A_524 : i32 to index
        %parallel_loop3A_526 = arith.index_cast %parallel_loop3A_523 : i32 to index
        %parallel_loop3A_527 = tpu.vector_load %arg7[%parallel_loop3A_525, %parallel_loop3A_526] {strides = array<i32>} : memref<8x1024xi32, #tpu.memory_space<vmem>>, vector<16xi32>,
        %parallel_loop3A_528 = tpu.vector_load_idx %arg5[%parallel_loop3A_527] : memref<100000xf32, #tpu.memory_space<vmem>>[vector<16xi32>], vector<16xf32>,
        %parallel_loop3A_529 = arith.index_cast %parallel_loop3A_523 : i32 to index
        %parallel_loop3A_530 = tpu.vector_load %arg10[%parallel_loop3A_529] {strides = array<i32>} : memref<1024xf32, #tpu.memory_space<vmem>>, vector<16xf32>,
        tpu.vector_store %arg10[%parallel_loop3A_529], %parallel_loop3A_528 {strides = array<i32>} : memref<1024xf32, #tpu.memory_space<vmem>>, vector<16xf32>,
      } {sc.loop_unroll_factor = 8 : i64, sc.parallel_access}
      %dma_start3A_504 = tpu.memref_slice %arg4[%add3A_496, %add3A, %mul3A_402] : memref<50x32x16384xf32, #tpu.memory_space<hbm>> -> memref<1x1x1024xf32, #tpu.memory_space<hbm>>
      %dma_start3A_505 = tpu.memref_squeeze %dma_start3A_504 : memref<1x1x1024xf32, #tpu.memory_space<hbm>> -> memref<1024xf32, #tpu.memory_space<hbm>>
      %dma_start3A_506 = tpu.memref_slice %arg4[%add3A_496, %add3A, %mul3A_402] : memref<50x32x16384xf32, #tpu.memory_space<hbm>> -> memref<1x1x1024xf32, #tpu.memory_space<hbm>>
      %dma_start3A_507 = tpu.memref_squeeze %dma_start3A_506 : memref<1x1x1024xf32, #tpu.memory_space<hbm>> -> memref<1024xf32, #tpu.memory_space<hbm>>
      tpu.enqueue_dma source(%arg10 : memref<1024xf32, #tpu.memory_space<vmem>>) target(%dma_start3A_507 : memref<1024xf32, #tpu.memory_space<hbm>>) target_semaphore(%arg14 : memref<!tpu.dma_semaphore, #tpu.memory_space<semaphore_mem>>)
      %mul3A_508 = arith.constant 8 : i32
      %mul3A_509 = arith.muli %select_n3A_384, %mul3A_508 : i32
      %add3A_510 = arith.constant 7 : i32
      %add3A_511 = arith.addi %mul3A_509, %add3A_510 : i32
      %dma_wait3A_512 = tpu.memref_slice %arg4[%add3A_511, %add3A, %mul3A_402] : memref<50x32x16384xf32, #tpu.memory_space<hbm>> -> memref<1x1x1024xf32, #tpu.memory_space<hbm>>
      %dma_wait3A_513 = tpu.memref_squeeze %dma_wait3A_512 : memref<1x1x1024xf32, #tpu.memory_space<hbm>> -> memref<1024xf32, #tpu.memory_space<hbm>>
      %dma_wait3A_514 = tpu.memref_slice %arg4[%add3A_511, %add3A, %mul3A_402] : memref<50x32x16384xf32, #tpu.memory_space<hbm>> -> memref<1x1x1024xf32, #tpu.memory_space<hbm>>
      %dma_wait3A_515 = tpu.memref_squeeze %dma_wait3A_514 : memref<1x1x1024xf32, #tpu.memory_space<hbm>> -> memref<1024xf32, #tpu.memory_space<hbm>>
      tpu.wait_dma2 semaphore(%arg15 : memref<!tpu.dma_semaphore, #tpu.memory_space<semaphore_mem>>) src(%arg11 : memref<1024xf32, #tpu.memory_space<vmem>>) dst(%dma_wait3A_515 : memref<1024xf32, #tpu.memory_space<hbm>>)
      %parallel_loop3A_516 = arith.constant 0 : i32
      %parallel_loop3A_517 = arith.constant 1024 : i32
      %parallel_loop3A_518 = arith.constant 16 : i32
      scf.for %parallel_loop3A_523 = %parallel_loop3A_516 to %parallel_loop3A_517 step %parallel_loop3A_518  : i32 {
        %parallel_loop3A_524 = arith.constant 7 : i32
        %parallel_loop3A_525 = arith.index_cast %parallel_loop3A_524 : i32 to index
        %parallel_loop3A_526 = arith.index_cast %parallel_loop3A_523 : i32 to index
        %parallel_loop3A_527 = tpu.vector_load %arg7[%parallel_loop3A_525, %parallel_loop3A_526] {strides = array<i32>} : memref<8x1024xi32, #tpu.memory_space<vmem>>, vector<16xi32>,
        %parallel_loop3A_528 = tpu.vector_load_idx %arg5[%parallel_loop3A_527] : memref<100000xf32, #tpu.memory_space<vmem>>[vector<16xi32>], vector<16xf32>,
        %parallel_loop3A_529 = arith.index_cast %parallel_loop3A_523 : i32 to index
        %parallel_loop3A_530 = tpu.vector_load %arg11[%parallel_loop3A_529] {strides = array<i32>} : memref<1024xf32, #tpu.memory_space<vmem>>, vector<16xf32>,
        tpu.vector_store %arg11[%parallel_loop3A_529], %parallel_loop3A_528 {strides = array<i32>} : memref<1024xf32, #tpu.memory_space<vmem>>, vector<16xf32>,
      } {sc.loop_unroll_factor = 8 : i64, sc.parallel_access}
      %dma_start3A_519 = tpu.memref_slice %arg4[%add3A_511, %add3A, %mul3A_402] : memref<50x32x16384xf32, #tpu.memory_space<hbm>> -> memref<1x1x1024xf32, #tpu.memory_space<hbm>>
      %dma_start3A_520 = tpu.memref_squeeze %dma_start3A_519 : memref<1x1x1024xf32, #tpu.memory_space<hbm>> -> memref<1024xf32, #tpu.memory_space<hbm>>
      %dma_start3A_521 = tpu.memref_slice %arg4[%add3A_511, %add3A, %mul3A_402] : memref<50x32x16384xf32, #tpu.memory_space<hbm>> -> memref<1x1x1024xf32, #tpu.memory_space<hbm>>
      %dma_start3A_522 = tpu.memref_squeeze %dma_start3A_521 : memref<1x1x1024xf32, #tpu.memory_space<hbm>> -> memref<1024xf32, #tpu.memory_space<hbm>>
      tpu.enqueue_dma source(%arg11 : memref<1024xf32, #tpu.memory_space<vmem>>) target(%dma_start3A_522 : memref<1024xf32, #tpu.memory_space<hbm>>) target_semaphore(%arg15 : memref<!tpu.dma_semaphore, #tpu.memory_space<semaphore_mem>>)
    }
    %scan3A_20 = arith.constant 48 : i32
    %dma_wait3A_21 = arith.constant 46 : i32
    %dma_wait3A_22 = arith.constant 15360 : i32
    %dma_wait3A_23 = tpu.memref_slice %arg4[%dma_wait3A_21, %add3A, %dma_wait3A_22] : memref<50x32x16384xf32, #tpu.memory_space<hbm>> -> memref<1x1x1024xf32, #tpu.memory_space<hbm>>
    %dma_wait3A_24 = tpu.memref_squeeze %dma_wait3A_23 : memref<1x1x1024xf32, #tpu.memory_space<hbm>> -> memref<1024xf32, #tpu.memory_space<hbm>>
    %dma_wait3A_25 = arith.constant 15360 : i32
    %dma_wait3A_26 = tpu.memref_slice %arg4[%dma_wait3A_21, %add3A, %dma_wait3A_25] : memref<50x32x16384xf32, #tpu.memory_space<hbm>> -> memref<1x1x1024xf32, #tpu.memory_space<hbm>>
    %dma_wait3A_27 = tpu.memref_squeeze %dma_wait3A_26 : memref<1x1x1024xf32, #tpu.memory_space<hbm>> -> memref<1024xf32, #tpu.memory_space<hbm>>
    tpu.wait_dma2 semaphore(%arg14 : memref<!tpu.dma_semaphore, #tpu.memory_space<semaphore_mem>>) src(%arg10 : memref<1024xf32, #tpu.memory_space<vmem>>) dst(%dma_wait3A_27 : memref<1024xf32, #tpu.memory_space<hbm>>)
    %dma_wait3A_28 = arith.constant 47 : i32
    %dma_wait3A_29 = arith.constant 15360 : i32
    %dma_wait3A_30 = tpu.memref_slice %arg4[%dma_wait3A_28, %add3A, %dma_wait3A_29] : memref<50x32x16384xf32, #tpu.memory_space<hbm>> -> memref<1x1x1024xf32, #tpu.memory_space<hbm>>
    %dma_wait3A_31 = tpu.memref_squeeze %dma_wait3A_30 : memref<1x1x1024xf32, #tpu.memory_space<hbm>> -> memref<1024xf32, #tpu.memory_space<hbm>>
    %dma_wait3A_32 = arith.constant 15360 : i32
    %dma_wait3A_33 = tpu.memref_slice %arg4[%dma_wait3A_28, %add3A, %dma_wait3A_32] : memref<50x32x16384xf32, #tpu.memory_space<hbm>> -> memref<1x1x1024xf32, #tpu.memory_space<hbm>>
    %dma_wait3A_34 = tpu.memref_squeeze %dma_wait3A_33 : memref<1x1x1024xf32, #tpu.memory_space<hbm>> -> memref<1024xf32, #tpu.memory_space<hbm>>
    tpu.wait_dma2 semaphore(%arg15 : memref<!tpu.dma_semaphore, #tpu.memory_space<semaphore_mem>>) src(%arg11 : memref<1024xf32, #tpu.memory_space<vmem>>) dst(%dma_wait3A_34 : memref<1024xf32, #tpu.memory_space<hbm>>)
    %dma_start3A_35 = arith.constant 48 : i32
    %dma_start3A_36 = arith.constant 0 : i32
    %dma_start3A_37 = tpu.memref_slice %arg2[%dma_start3A_35, %dma_start3A_36] : memref<50x16384xi32, #tpu.memory_space<hbm>> -> memref<1x1024xi32, #tpu.memory_space<hbm>>
    %dma_start3A_38 = tpu.memref_squeeze %dma_start3A_37 : memref<1x1024xi32, #tpu.memory_space<hbm>> -> memref<1024xi32, #tpu.memory_space<hbm>>
    %dma_start3A_39 = arith.constant 0 : i32
    %dma_start3A_40 = tpu.memref_slice %arg2[%dma_start3A_35, %dma_start3A_39] : memref<50x16384xi32, #tpu.memory_space<hbm>> -> memref<1x1024xi32, #tpu.memory_space<hbm>>
    %dma_start3A_41 = tpu.memref_squeeze %dma_start3A_40 : memref<1x1024xi32, #tpu.memory_space<hbm>> -> memref<1024xi32, #tpu.memory_space<hbm>>
    tpu.enqueue_dma source(%dma_start3A_41 : memref<1024xi32, #tpu.memory_space<hbm>>) target(%arg8 : memref<1024xi32, #tpu.memory_space<vmem>>) target_semaphore(%arg12 : memref<!tpu.dma_semaphore, #tpu.memory_space<semaphore_mem>>)
    %scan3A_42 = arith.constant 0 : i32
    %scan3A_43 = arith.constant 16 : i32
    %scan3A_44 = arith.addi %scan3A_42, %scan3A_43 : i32
    %scan3A_45 = arith.constant 1 : i32
    scf.for %scan3A_61 = %scan3A_42 to %scan3A_44 step %scan3A_45  : i32 {
      %mul3A_62 = arith.constant 2 : i32
      %mul3A_63 = arith.muli %mul3A_62, %scan3A_61 : i32
      %jit3A = arith.constant 16 : i32
      %div3A = arith.divsi %mul3A_63, %jit3A : i32
      %sign3A = arith.constant 0 : i32
      %sign3A_64 = arith.cmpi sgt, %mul3A_63, %sign3A : i32
      %sign3A_65 = arith.extui %sign3A_64 : i1 to i32
      %sign3A_66 = arith.constant 0 : i32
      %sign3A_67 = arith.cmpi slt, %mul3A_63, %sign3A_66 : i32
      %sign3A_68 = arith.extui %sign3A_67 : i1 to i32
      %sign3A_69 = arith.subi %sign3A_65, %sign3A_68 : i32
      %sign3A_70 = arith.constant 0 : i32
      %sign3A_71 = arith.cmpi sgt, %jit3A, %sign3A_70 : i32
      %sign3A_72 = arith.extui %sign3A_71 : i1 to i32
      %sign3A_73 = arith.constant 0 : i32
      %sign3A_74 = arith.cmpi slt, %jit3A, %sign3A_73 : i32
      %sign3A_75 = arith.extui %sign3A_74 : i1 to i32
      %sign3A_76 = arith.subi %sign3A_72, %sign3A_75 : i32
      %ne3A = arith.cmpi ne, %sign3A_69, %sign3A_76 : i32
      %rem3A = arith.remsi %mul3A_63, %jit3A : i32
      %ne3A_77 = arith.constant 0 : i32
      %ne3A_78 = arith.cmpi ne, %rem3A, %ne3A_77 : i32
      %and3A = arith.andi %ne3A, %ne3A_78 : i1
      %sub3A = arith.constant 1 : i32
      %sub3A_79 = arith.subi %div3A, %sub3A : i32
      %select_n3A = arith.select %and3A, %sub3A_79, %div3A : i32
      %add3A_80 = arith.constant 48 : i32
      %add3A_81 = arith.addi %add3A_80, %select_n3A : i32
      %jit3A_82 = arith.constant 16 : i32
      %eq3A = arith.constant 0 : i32
      %eq3A_83 = arith.cmpi eq, %jit3A_82, %eq3A : i32
      %jit3A_84 = arith.constant 1 : i32
      %select_n3A_85 = arith.select %eq3A_83, %jit3A_84, %jit3A_82 : i32
      %rem3A_86 = arith.remsi %mul3A_63, %select_n3A_85 : i32
      %ne3A_87 = arith.constant 0 : i32
      %ne3A_88 = arith.cmpi ne, %rem3A_86, %ne3A_87 : i32
      %lt3A = arith.constant 0 : i32
      %lt3A_89 = arith.cmpi slt, %rem3A_86, %lt3A : i32
      %lt3A_90 = arith.constant 0 : i32
      %lt3A_91 = arith.cmpi slt, %select_n3A_85, %lt3A_90 : i32
      %ne3A_92 = arith.xori %lt3A_89, %lt3A_91 : i1
      %and3A_93 = arith.andi %ne3A_92, %ne3A_88 : i1
      %add3A_94 = arith.addi %rem3A_86, %select_n3A_85 : i32
      %select_n3A_95 = arith.select %and3A_93, %add3A_94, %rem3A_86 : i32
      %mul3A_96 = arith.constant 1024 : i32
      %mul3A_97 = arith.muli %select_n3A_95, %mul3A_96 : i32
      %dma_wait3A_98 = tpu.memref_slice %arg2[%add3A_81, %mul3A_97] : memref<50x16384xi32, #tpu.memory_space<hbm>> -> memref<1x1024xi32, #tpu.memory_space<hbm>>
      %dma_wait3A_99 = tpu.memref_squeeze %dma_wait3A_98 : memref<1x1024xi32, #tpu.memory_space<hbm>> -> memref<1024xi32, #tpu.memory_space<hbm>>
      %dma_wait3A_100 = tpu.memref_slice %arg2[%add3A_81, %mul3A_97] : memref<50x16384xi32, #tpu.memory_space<hbm>> -> memref<1x1024xi32, #tpu.memory_space<hbm>>
      %dma_wait3A_101 = tpu.memref_squeeze %dma_wait3A_100 : memref<1x1024xi32, #tpu.memory_space<hbm>> -> memref<1024xi32, #tpu.memory_space<hbm>>
      tpu.wait_dma2 semaphore(%arg12 : memref<!tpu.dma_semaphore, #tpu.memory_space<semaphore_mem>>) src(%dma_wait3A_101 : memref<1024xi32, #tpu.memory_space<hbm>>) dst(%arg8 : memref<1024xi32, #tpu.memory_space<vmem>>)
      %gt3A = arith.constant 0 : i32
      %gt3A_102 = arith.cmpi sgt, %scan3A_61, %gt3A : i32
      %convert_element_type3A = arith.extui %gt3A_102 : i1 to i32
      %cond3A = arith.constant 0 : i32
      %cond3A_103 = arith.cmpi ne, %convert_element_type3A, %cond3A : i32
      scf.if %cond3A_103 {
        %sub3A_317 = arith.constant 1 : i32
        %sub3A_318 = arith.subi %mul3A_63, %sub3A_317 : i32
        %jit3A_319 = arith.constant 16 : i32
        %div3A_320 = arith.divsi %sub3A_318, %jit3A_319 : i32
        %sign3A_321 = arith.constant 0 : i32
        %sign3A_322 = arith.cmpi sgt, %sub3A_318, %sign3A_321 : i32
        %sign3A_323 = arith.extui %sign3A_322 : i1 to i32
        %sign3A_324 = arith.constant 0 : i32
        %sign3A_325 = arith.cmpi slt, %sub3A_318, %sign3A_324 : i32
        %sign3A_326 = arith.extui %sign3A_325 : i1 to i32
        %sign3A_327 = arith.subi %sign3A_323, %sign3A_326 : i32
        %sign3A_328 = arith.constant 0 : i32
        %sign3A_329 = arith.cmpi sgt, %jit3A_319, %sign3A_328 : i32
        %sign3A_330 = arith.extui %sign3A_329 : i1 to i32
        %sign3A_331 = arith.constant 0 : i32
        %sign3A_332 = arith.cmpi slt, %jit3A_319, %sign3A_331 : i32
        %sign3A_333 = arith.extui %sign3A_332 : i1 to i32
        %sign3A_334 = arith.subi %sign3A_330, %sign3A_333 : i32
        %ne3A_335 = arith.cmpi ne, %sign3A_327, %sign3A_334 : i32
        %rem3A_336 = arith.remsi %sub3A_318, %jit3A_319 : i32
        %ne3A_337 = arith.constant 0 : i32
        %ne3A_338 = arith.cmpi ne, %rem3A_336, %ne3A_337 : i32
        %and3A_339 = arith.andi %ne3A_335, %ne3A_338 : i1
        %sub3A_340 = arith.constant 1 : i32
        %sub3A_341 = arith.subi %div3A_320, %sub3A_340 : i32
        %select_n3A_342 = arith.select %and3A_339, %sub3A_341, %div3A_320 : i32
        %add3A_343 = arith.constant 48 : i32
        %add3A_344 = arith.addi %add3A_343, %select_n3A_342 : i32
        %jit3A_345 = arith.constant 16 : i32
        %eq3A_346 = arith.constant 0 : i32
        %eq3A_347 = arith.cmpi eq, %jit3A_345, %eq3A_346 : i32
        %jit3A_348 = arith.constant 1 : i32
        %select_n3A_349 = arith.select %eq3A_347, %jit3A_348, %jit3A_345 : i32
        %rem3A_350 = arith.remsi %sub3A_318, %select_n3A_349 : i32
        %ne3A_351 = arith.constant 0 : i32
        %ne3A_352 = arith.cmpi ne, %rem3A_350, %ne3A_351 : i32
        %lt3A_353 = arith.constant 0 : i32
        %lt3A_354 = arith.cmpi slt, %rem3A_350, %lt3A_353 : i32
        %lt3A_355 = arith.constant 0 : i32
        %lt3A_356 = arith.cmpi slt, %select_n3A_349, %lt3A_355 : i32
        %ne3A_357 = arith.xori %lt3A_354, %lt3A_356 : i1
        %and3A_358 = arith.andi %ne3A_357, %ne3A_352 : i1
        %add3A_359 = arith.addi %rem3A_350, %select_n3A_349 : i32
        %select_n3A_360 = arith.select %and3A_358, %add3A_359, %rem3A_350 : i32
        %mul3A_361 = arith.constant 1024 : i32
        %mul3A_362 = arith.muli %select_n3A_360, %mul3A_361 : i32
        %dma_wait3A_363 = tpu.memref_slice %arg4[%add3A_344, %add3A, %mul3A_362] : memref<50x32x16384xf32, #tpu.memory_space<hbm>> -> memref<1x1x1024xf32, #tpu.memory_space<hbm>>
        %dma_wait3A_364 = tpu.memref_squeeze %dma_wait3A_363 : memref<1x1x1024xf32, #tpu.memory_space<hbm>> -> memref<1024xf32, #tpu.memory_space<hbm>>
        %dma_wait3A_365 = tpu.memref_slice %arg4[%add3A_344, %add3A, %mul3A_362] : memref<50x32x16384xf32, #tpu.memory_space<hbm>> -> memref<1x1x1024xf32, #tpu.memory_space<hbm>>
        %dma_wait3A_366 = tpu.memref_squeeze %dma_wait3A_365 : memref<1x1x1024xf32, #tpu.memory_space<hbm>> -> memref<1024xf32, #tpu.memory_space<hbm>>
        tpu.wait_dma2 semaphore(%arg15 : memref<!tpu.dma_semaphore, #tpu.memory_space<semaphore_mem>>) src(%arg11 : memref<1024xf32, #tpu.memory_space<vmem>>) dst(%dma_wait3A_366 : memref<1024xf32, #tpu.memory_space<hbm>>)
      } else {
      }
      %add3A_104 = arith.constant 1 : i32
      %add3A_105 = arith.addi %mul3A_63, %add3A_104 : i32
      %jit3A_106 = arith.constant 16 : i32
      %div3A_107 = arith.divsi %add3A_105, %jit3A_106 : i32
      %sign3A_108 = arith.constant 0 : i32
      %sign3A_109 = arith.cmpi sgt, %add3A_105, %sign3A_108 : i32
      %sign3A_110 = arith.extui %sign3A_109 : i1 to i32
      %sign3A_111 = arith.constant 0 : i32
      %sign3A_112 = arith.cmpi slt, %add3A_105, %sign3A_111 : i32
      %sign3A_113 = arith.extui %sign3A_112 : i1 to i32
      %sign3A_114 = arith.subi %sign3A_110, %sign3A_113 : i32
      %sign3A_115 = arith.constant 0 : i32
      %sign3A_116 = arith.cmpi sgt, %jit3A_106, %sign3A_115 : i32
      %sign3A_117 = arith.extui %sign3A_116 : i1 to i32
      %sign3A_118 = arith.constant 0 : i32
      %sign3A_119 = arith.cmpi slt, %jit3A_106, %sign3A_118 : i32
      %sign3A_120 = arith.extui %sign3A_119 : i1 to i32
      %sign3A_121 = arith.subi %sign3A_117, %sign3A_120 : i32
      %ne3A_122 = arith.cmpi ne, %sign3A_114, %sign3A_121 : i32
      %rem3A_123 = arith.remsi %add3A_105, %jit3A_106 : i32
      %ne3A_124 = arith.constant 0 : i32
      %ne3A_125 = arith.cmpi ne, %rem3A_123, %ne3A_124 : i32
      %and3A_126 = arith.andi %ne3A_122, %ne3A_125 : i1
      %sub3A_127 = arith.constant 1 : i32
      %sub3A_128 = arith.subi %div3A_107, %sub3A_127 : i32
      %select_n3A_129 = arith.select %and3A_126, %sub3A_128, %div3A_107 : i32
      %add3A_130 = arith.constant 48 : i32
      %add3A_131 = arith.addi %add3A_130, %select_n3A_129 : i32
      %jit3A_132 = arith.constant 16 : i32
      %eq3A_133 = arith.constant 0 : i32
      %eq3A_134 = arith.cmpi eq, %jit3A_132, %eq3A_133 : i32
      %jit3A_135 = arith.constant 1 : i32
      %select_n3A_136 = arith.select %eq3A_134, %jit3A_135, %jit3A_132 : i32
      %rem3A_137 = arith.remsi %add3A_105, %select_n3A_136 : i32
      %ne3A_138 = arith.constant 0 : i32
      %ne3A_139 = arith.cmpi ne, %rem3A_137, %ne3A_138 : i32
      %lt3A_140 = arith.constant 0 : i32
      %lt3A_141 = arith.cmpi slt, %rem3A_137, %lt3A_140 : i32
      %lt3A_142 = arith.constant 0 : i32
      %lt3A_143 = arith.cmpi slt, %select_n3A_136, %lt3A_142 : i32
      %ne3A_144 = arith.xori %lt3A_141, %lt3A_143 : i1
      %and3A_145 = arith.andi %ne3A_144, %ne3A_139 : i1
      %add3A_146 = arith.addi %rem3A_137, %select_n3A_136 : i32
      %select_n3A_147 = arith.select %and3A_145, %add3A_146, %rem3A_137 : i32
      %mul3A_148 = arith.constant 1024 : i32
      %mul3A_149 = arith.muli %select_n3A_147, %mul3A_148 : i32
      %dma_start3A_150 = tpu.memref_slice %arg2[%add3A_131, %mul3A_149] : memref<50x16384xi32, #tpu.memory_space<hbm>> -> memref<1x1024xi32, #tpu.memory_space<hbm>>
      %dma_start3A_151 = tpu.memref_squeeze %dma_start3A_150 : memref<1x1024xi32, #tpu.memory_space<hbm>> -> memref<1024xi32, #tpu.memory_space<hbm>>
      %dma_start3A_152 = tpu.memref_slice %arg2[%add3A_131, %mul3A_149] : memref<50x16384xi32, #tpu.memory_space<hbm>> -> memref<1x1024xi32, #tpu.memory_space<hbm>>
      %dma_start3A_153 = tpu.memref_squeeze %dma_start3A_152 : memref<1x1024xi32, #tpu.memory_space<hbm>> -> memref<1024xi32, #tpu.memory_space<hbm>>
      tpu.enqueue_dma source(%dma_start3A_153 : memref<1024xi32, #tpu.memory_space<hbm>>) target(%arg9 : memref<1024xi32, #tpu.memory_space<vmem>>) target_semaphore(%arg13 : memref<!tpu.dma_semaphore, #tpu.memory_space<semaphore_mem>>)
      %gt3A_154 = arith.constant 0 : i32
      %gt3A_155 = arith.cmpi sgt, %scan3A_61, %gt3A_154 : i32
      %convert_element_type3A_156 = arith.extui %gt3A_155 : i1 to i32
      %cond3A_157 = arith.constant 0 : i32
      %cond3A_158 = arith.cmpi ne, %convert_element_type3A_156, %cond3A_157 : i32
      scf.if %cond3A_158 {
        %sub3A_317 = arith.constant 2 : i32
        %sub3A_318 = arith.subi %mul3A_63, %sub3A_317 : i32
        %jit3A_319 = arith.constant 16 : i32
        %div3A_320 = arith.divsi %sub3A_318, %jit3A_319 : i32
        %sign3A_321 = arith.constant 0 : i32
        %sign3A_322 = arith.cmpi sgt, %sub3A_318, %sign3A_321 : i32
        %sign3A_323 = arith.extui %sign3A_322 : i1 to i32
        %sign3A_324 = arith.constant 0 : i32
        %sign3A_325 = arith.cmpi slt, %sub3A_318, %sign3A_324 : i32
        %sign3A_326 = arith.extui %sign3A_325 : i1 to i32
        %sign3A_327 = arith.subi %sign3A_323, %sign3A_326 : i32
        %sign3A_328 = arith.constant 0 : i32
        %sign3A_329 = arith.cmpi sgt, %jit3A_319, %sign3A_328 : i32
        %sign3A_330 = arith.extui %sign3A_329 : i1 to i32
        %sign3A_331 = arith.constant 0 : i32
        %sign3A_332 = arith.cmpi slt, %jit3A_319, %sign3A_331 : i32
        %sign3A_333 = arith.extui %sign3A_332 : i1 to i32
        %sign3A_334 = arith.subi %sign3A_330, %sign3A_333 : i32
        %ne3A_335 = arith.cmpi ne, %sign3A_327, %sign3A_334 : i32
        %rem3A_336 = arith.remsi %sub3A_318, %jit3A_319 : i32
        %ne3A_337 = arith.constant 0 : i32
        %ne3A_338 = arith.cmpi ne, %rem3A_336, %ne3A_337 : i32
        %and3A_339 = arith.andi %ne3A_335, %ne3A_338 : i1
        %sub3A_340 = arith.constant 1 : i32
        %sub3A_341 = arith.subi %div3A_320, %sub3A_340 : i32
        %select_n3A_342 = arith.select %and3A_339, %sub3A_341, %div3A_320 : i32
        %add3A_343 = arith.constant 48 : i32
        %add3A_344 = arith.addi %add3A_343, %select_n3A_342 : i32
        %jit3A_345 = arith.constant 16 : i32
        %eq3A_346 = arith.constant 0 : i32
        %eq3A_347 = arith.cmpi eq, %jit3A_345, %eq3A_346 : i32
        %jit3A_348 = arith.constant 1 : i32
        %select_n3A_349 = arith.select %eq3A_347, %jit3A_348, %jit3A_345 : i32
        %rem3A_350 = arith.remsi %sub3A_318, %select_n3A_349 : i32
        %ne3A_351 = arith.constant 0 : i32
        %ne3A_352 = arith.cmpi ne, %rem3A_350, %ne3A_351 : i32
        %lt3A_353 = arith.constant 0 : i32
        %lt3A_354 = arith.cmpi slt, %rem3A_350, %lt3A_353 : i32
        %lt3A_355 = arith.constant 0 : i32
        %lt3A_356 = arith.cmpi slt, %select_n3A_349, %lt3A_355 : i32
        %ne3A_357 = arith.xori %lt3A_354, %lt3A_356 : i1
        %and3A_358 = arith.andi %ne3A_357, %ne3A_352 : i1
        %add3A_359 = arith.addi %rem3A_350, %select_n3A_349 : i32
        %select_n3A_360 = arith.select %and3A_358, %add3A_359, %rem3A_350 : i32
        %mul3A_361 = arith.constant 1024 : i32
        %mul3A_362 = arith.muli %select_n3A_360, %mul3A_361 : i32
        %dma_wait3A_363 = tpu.memref_slice %arg4[%add3A_344, %add3A, %mul3A_362] : memref<50x32x16384xf32, #tpu.memory_space<hbm>> -> memref<1x1x1024xf32, #tpu.memory_space<hbm>>
        %dma_wait3A_364 = tpu.memref_squeeze %dma_wait3A_363 : memref<1x1x1024xf32, #tpu.memory_space<hbm>> -> memref<1024xf32, #tpu.memory_space<hbm>>
        %dma_wait3A_365 = tpu.memref_slice %arg4[%add3A_344, %add3A, %mul3A_362] : memref<50x32x16384xf32, #tpu.memory_space<hbm>> -> memref<1x1x1024xf32, #tpu.memory_space<hbm>>
        %dma_wait3A_366 = tpu.memref_squeeze %dma_wait3A_365 : memref<1x1x1024xf32, #tpu.memory_space<hbm>> -> memref<1024xf32, #tpu.memory_space<hbm>>
        tpu.wait_dma2 semaphore(%arg14 : memref<!tpu.dma_semaphore, #tpu.memory_space<semaphore_mem>>) src(%arg10 : memref<1024xf32, #tpu.memory_space<vmem>>) dst(%dma_wait3A_366 : memref<1024xf32, #tpu.memory_space<hbm>>)
      } else {
      }
      %parallel_loop3A = arith.constant 0 : i32
      %parallel_loop3A_159 = arith.constant 1024 : i32
      %parallel_loop3A_160 = arith.constant 16 : i32
      scf.for %parallel_loop3A_317 = %parallel_loop3A to %parallel_loop3A_159 step %parallel_loop3A_160  : i32 {
        %parallel_loop3A_318 = arith.index_cast %parallel_loop3A_317 : i32 to index
        %parallel_loop3A_319 = tpu.vector_load %arg8[%parallel_loop3A_318] {strides = array<i32>} : memref<1024xi32, #tpu.memory_space<vmem>>, vector<16xi32>,
        %parallel_loop3A_320 = tpu.vector_load_idx %arg5[%parallel_loop3A_319] : memref<100000xf32, #tpu.memory_space<vmem>>[vector<16xi32>], vector<16xf32>,
        %parallel_loop3A_321 = arith.index_cast %parallel_loop3A_317 : i32 to index
        %parallel_loop3A_322 = tpu.vector_load %arg10[%parallel_loop3A_321] {strides = array<i32>} : memref<1024xf32, #tpu.memory_space<vmem>>, vector<16xf32>,
        tpu.vector_store %arg10[%parallel_loop3A_321], %parallel_loop3A_320 {strides = array<i32>} : memref<1024xf32, #tpu.memory_space<vmem>>, vector<16xf32>,
      } {sc.loop_unroll_factor = 8 : i64, sc.parallel_access}
      %jit3A_161 = arith.constant 16 : i32
      %div3A_162 = arith.divsi %mul3A_63, %jit3A_161 : i32
      %sign3A_163 = arith.constant 0 : i32
      %sign3A_164 = arith.cmpi sgt, %mul3A_63, %sign3A_163 : i32
      %sign3A_165 = arith.extui %sign3A_164 : i1 to i32
      %sign3A_166 = arith.constant 0 : i32
      %sign3A_167 = arith.cmpi slt, %mul3A_63, %sign3A_166 : i32
      %sign3A_168 = arith.extui %sign3A_167 : i1 to i32
      %sign3A_169 = arith.subi %sign3A_165, %sign3A_168 : i32
      %sign3A_170 = arith.constant 0 : i32
      %sign3A_171 = arith.cmpi sgt, %jit3A_161, %sign3A_170 : i32
      %sign3A_172 = arith.extui %sign3A_171 : i1 to i32
      %sign3A_173 = arith.constant 0 : i32
      %sign3A_174 = arith.cmpi slt, %jit3A_161, %sign3A_173 : i32
      %sign3A_175 = arith.extui %sign3A_174 : i1 to i32
      %sign3A_176 = arith.subi %sign3A_172, %sign3A_175 : i32
      %ne3A_177 = arith.cmpi ne, %sign3A_169, %sign3A_176 : i32
      %rem3A_178 = arith.remsi %mul3A_63, %jit3A_161 : i32
      %ne3A_179 = arith.constant 0 : i32
      %ne3A_180 = arith.cmpi ne, %rem3A_178, %ne3A_179 : i32
      %and3A_181 = arith.andi %ne3A_177, %ne3A_180 : i1
      %sub3A_182 = arith.constant 1 : i32
      %sub3A_183 = arith.subi %div3A_162, %sub3A_182 : i32
      %select_n3A_184 = arith.select %and3A_181, %sub3A_183, %div3A_162 : i32
      %add3A_185 = arith.constant 48 : i32
      %add3A_186 = arith.addi %add3A_185, %select_n3A_184 : i32
      %jit3A_187 = arith.constant 16 : i32
      %eq3A_188 = arith.constant 0 : i32
      %eq3A_189 = arith.cmpi eq, %jit3A_187, %eq3A_188 : i32
      %jit3A_190 = arith.constant 1 : i32
      %select_n3A_191 = arith.select %eq3A_189, %jit3A_190, %jit3A_187 : i32
      %rem3A_192 = arith.remsi %mul3A_63, %select_n3A_191 : i32
      %ne3A_193 = arith.constant 0 : i32
      %ne3A_194 = arith.cmpi ne, %rem3A_192, %ne3A_193 : i32
      %lt3A_195 = arith.constant 0 : i32
      %lt3A_196 = arith.cmpi slt, %rem3A_192, %lt3A_195 : i32
      %lt3A_197 = arith.constant 0 : i32
      %lt3A_198 = arith.cmpi slt, %select_n3A_191, %lt3A_197 : i32
      %ne3A_199 = arith.xori %lt3A_196, %lt3A_198 : i1
      %and3A_200 = arith.andi %ne3A_199, %ne3A_194 : i1
      %add3A_201 = arith.addi %rem3A_192, %select_n3A_191 : i32
      %select_n3A_202 = arith.select %and3A_200, %add3A_201, %rem3A_192 : i32
      %mul3A_203 = arith.constant 1024 : i32
      %mul3A_204 = arith.muli %select_n3A_202, %mul3A_203 : i32
      %dma_start3A_205 = tpu.memref_slice %arg4[%add3A_186, %add3A, %mul3A_204] : memref<50x32x16384xf32, #tpu.memory_space<hbm>> -> memref<1x1x1024xf32, #tpu.memory_space<hbm>>
      %dma_start3A_206 = tpu.memref_squeeze %dma_start3A_205 : memref<1x1x1024xf32, #tpu.memory_space<hbm>> -> memref<1024xf32, #tpu.memory_space<hbm>>
      %dma_start3A_207 = tpu.memref_slice %arg4[%add3A_186, %add3A, %mul3A_204] : memref<50x32x16384xf32, #tpu.memory_space<hbm>> -> memref<1x1x1024xf32, #tpu.memory_space<hbm>>
      %dma_start3A_208 = tpu.memref_squeeze %dma_start3A_207 : memref<1x1x1024xf32, #tpu.memory_space<hbm>> -> memref<1024xf32, #tpu.memory_space<hbm>>
      tpu.enqueue_dma source(%arg10 : memref<1024xf32, #tpu.memory_space<vmem>>) target(%dma_start3A_208 : memref<1024xf32, #tpu.memory_space<hbm>>) target_semaphore(%arg14 : memref<!tpu.dma_semaphore, #tpu.memory_space<semaphore_mem>>)
      %add3A_209 = arith.constant 1 : i32
      %add3A_210 = arith.addi %mul3A_63, %add3A_209 : i32
      %jit3A_211 = arith.constant 16 : i32
      %div3A_212 = arith.divsi %add3A_210, %jit3A_211 : i32
      %sign3A_213 = arith.constant 0 : i32
      %sign3A_214 = arith.cmpi sgt, %add3A_210, %sign3A_213 : i32
      %sign3A_215 = arith.extui %sign3A_214 : i1 to i32
      %sign3A_216 = arith.constant 0 : i32
      %sign3A_217 = arith.cmpi slt, %add3A_210, %sign3A_216 : i32
      %sign3A_218 = arith.extui %sign3A_217 : i1 to i32
      %sign3A_219 = arith.subi %sign3A_215, %sign3A_218 : i32
      %sign3A_220 = arith.constant 0 : i32
      %sign3A_221 = arith.cmpi sgt, %jit3A_211, %sign3A_220 : i32
      %sign3A_222 = arith.extui %sign3A_221 : i1 to i32
      %sign3A_223 = arith.constant 0 : i32
      %sign3A_224 = arith.cmpi slt, %jit3A_211, %sign3A_223 : i32
      %sign3A_225 = arith.extui %sign3A_224 : i1 to i32
      %sign3A_226 = arith.subi %sign3A_222, %sign3A_225 : i32
      %ne3A_227 = arith.cmpi ne, %sign3A_219, %sign3A_226 : i32
      %rem3A_228 = arith.remsi %add3A_210, %jit3A_211 : i32
      %ne3A_229 = arith.constant 0 : i32
      %ne3A_230 = arith.cmpi ne, %rem3A_228, %ne3A_229 : i32
      %and3A_231 = arith.andi %ne3A_227, %ne3A_230 : i1
      %sub3A_232 = arith.constant 1 : i32
      %sub3A_233 = arith.subi %div3A_212, %sub3A_232 : i32
      %select_n3A_234 = arith.select %and3A_231, %sub3A_233, %div3A_212 : i32
      %add3A_235 = arith.constant 48 : i32
      %add3A_236 = arith.addi %add3A_235, %select_n3A_234 : i32
      %jit3A_237 = arith.constant 16 : i32
      %eq3A_238 = arith.constant 0 : i32
      %eq3A_239 = arith.cmpi eq, %jit3A_237, %eq3A_238 : i32
      %jit3A_240 = arith.constant 1 : i32
      %select_n3A_241 = arith.select %eq3A_239, %jit3A_240, %jit3A_237 : i32
      %rem3A_242 = arith.remsi %add3A_210, %select_n3A_241 : i32
      %ne3A_243 = arith.constant 0 : i32
      %ne3A_244 = arith.cmpi ne, %rem3A_242, %ne3A_243 : i32
      %lt3A_245 = arith.constant 0 : i32
      %lt3A_246 = arith.cmpi slt, %rem3A_242, %lt3A_245 : i32
      %lt3A_247 = arith.constant 0 : i32
      %lt3A_248 = arith.cmpi slt, %select_n3A_241, %lt3A_247 : i32
      %ne3A_249 = arith.xori %lt3A_246, %lt3A_248 : i1
      %and3A_250 = arith.andi %ne3A_249, %ne3A_244 : i1
      %add3A_251 = arith.addi %rem3A_242, %select_n3A_241 : i32
      %select_n3A_252 = arith.select %and3A_250, %add3A_251, %rem3A_242 : i32
      %mul3A_253 = arith.constant 1024 : i32
      %mul3A_254 = arith.muli %select_n3A_252, %mul3A_253 : i32
      %dma_wait3A_255 = tpu.memref_slice %arg2[%add3A_236, %mul3A_254] : memref<50x16384xi32, #tpu.memory_space<hbm>> -> memref<1x1024xi32, #tpu.memory_space<hbm>>
      %dma_wait3A_256 = tpu.memref_squeeze %dma_wait3A_255 : memref<1x1024xi32, #tpu.memory_space<hbm>> -> memref<1024xi32, #tpu.memory_space<hbm>>
      %dma_wait3A_257 = tpu.memref_slice %arg2[%add3A_236, %mul3A_254] : memref<50x16384xi32, #tpu.memory_space<hbm>> -> memref<1x1024xi32, #tpu.memory_space<hbm>>
      %dma_wait3A_258 = tpu.memref_squeeze %dma_wait3A_257 : memref<1x1024xi32, #tpu.memory_space<hbm>> -> memref<1024xi32, #tpu.memory_space<hbm>>
      tpu.wait_dma2 semaphore(%arg13 : memref<!tpu.dma_semaphore, #tpu.memory_space<semaphore_mem>>) src(%dma_wait3A_258 : memref<1024xi32, #tpu.memory_space<hbm>>) dst(%arg9 : memref<1024xi32, #tpu.memory_space<vmem>>)
      %lt3A_259 = arith.constant 15 : i32
      %lt3A_260 = arith.cmpi slt, %scan3A_61, %lt3A_259 : i32
      %convert_element_type3A_261 = arith.extui %lt3A_260 : i1 to i32
      %cond3A_262 = arith.constant 0 : i32
      %cond3A_263 = arith.cmpi ne, %convert_element_type3A_261, %cond3A_262 : i32
      scf.if %cond3A_263 {
        %add3A_317 = arith.constant 2 : i32
        %add3A_318 = arith.addi %mul3A_63, %add3A_317 : i32
        %jit3A_319 = arith.constant 16 : i32
        %div3A_320 = arith.divsi %add3A_318, %jit3A_319 : i32
        %sign3A_321 = arith.constant 0 : i32
        %sign3A_322 = arith.cmpi sgt, %add3A_318, %sign3A_321 : i32
        %sign3A_323 = arith.extui %sign3A_322 : i1 to i32
        %sign3A_324 = arith.constant 0 : i32
        %sign3A_325 = arith.cmpi slt, %add3A_318, %sign3A_324 : i32
        %sign3A_326 = arith.extui %sign3A_325 : i1 to i32
        %sign3A_327 = arith.subi %sign3A_323, %sign3A_326 : i32
        %sign3A_328 = arith.constant 0 : i32
        %sign3A_329 = arith.cmpi sgt, %jit3A_319, %sign3A_328 : i32
        %sign3A_330 = arith.extui %sign3A_329 : i1 to i32
        %sign3A_331 = arith.constant 0 : i32
        %sign3A_332 = arith.cmpi slt, %jit3A_319, %sign3A_331 : i32
        %sign3A_333 = arith.extui %sign3A_332 : i1 to i32
        %sign3A_334 = arith.subi %sign3A_330, %sign3A_333 : i32
        %ne3A_335 = arith.cmpi ne, %sign3A_327, %sign3A_334 : i32
        %rem3A_336 = arith.remsi %add3A_318, %jit3A_319 : i32
        %ne3A_337 = arith.constant 0 : i32
        %ne3A_338 = arith.cmpi ne, %rem3A_336, %ne3A_337 : i32
        %and3A_339 = arith.andi %ne3A_335, %ne3A_338 : i1
        %sub3A_340 = arith.constant 1 : i32
        %sub3A_341 = arith.subi %div3A_320, %sub3A_340 : i32
        %select_n3A_342 = arith.select %and3A_339, %sub3A_341, %div3A_320 : i32
        %add3A_343 = arith.constant 48 : i32
        %add3A_344 = arith.addi %add3A_343, %select_n3A_342 : i32
        %jit3A_345 = arith.constant 16 : i32
        %eq3A_346 = arith.constant 0 : i32
        %eq3A_347 = arith.cmpi eq, %jit3A_345, %eq3A_346 : i32
        %jit3A_348 = arith.constant 1 : i32
        %select_n3A_349 = arith.select %eq3A_347, %jit3A_348, %jit3A_345 : i32
        %rem3A_350 = arith.remsi %add3A_318, %select_n3A_349 : i32
        %ne3A_351 = arith.constant 0 : i32
        %ne3A_352 = arith.cmpi ne, %rem3A_350, %ne3A_351 : i32
        %lt3A_353 = arith.constant 0 : i32
        %lt3A_354 = arith.cmpi slt, %rem3A_350, %lt3A_353 : i32
        %lt3A_355 = arith.constant 0 : i32
        %lt3A_356 = arith.cmpi slt, %select_n3A_349, %lt3A_355 : i32
        %ne3A_357 = arith.xori %lt3A_354, %lt3A_356 : i1
        %and3A_358 = arith.andi %ne3A_357, %ne3A_352 : i1
        %add3A_359 = arith.addi %rem3A_350, %select_n3A_349 : i32
        %select_n3A_360 = arith.select %and3A_358, %add3A_359, %rem3A_350 : i32
        %mul3A_361 = arith.constant 1024 : i32
        %mul3A_362 = arith.muli %select_n3A_360, %mul3A_361 : i32
        %dma_start3A_363 = tpu.memref_slice %arg2[%add3A_344, %mul3A_362] : memref<50x16384xi32, #tpu.memory_space<hbm>> -> memref<1x1024xi32, #tpu.memory_space<hbm>>
        %dma_start3A_364 = tpu.memref_squeeze %dma_start3A_363 : memref<1x1024xi32, #tpu.memory_space<hbm>> -> memref<1024xi32, #tpu.memory_space<hbm>>
        %dma_start3A_365 = tpu.memref_slice %arg2[%add3A_344, %mul3A_362] : memref<50x16384xi32, #tpu.memory_space<hbm>> -> memref<1x1024xi32, #tpu.memory_space<hbm>>
        %dma_start3A_366 = tpu.memref_squeeze %dma_start3A_365 : memref<1x1024xi32, #tpu.memory_space<hbm>> -> memref<1024xi32, #tpu.memory_space<hbm>>
        tpu.enqueue_dma source(%dma_start3A_366 : memref<1024xi32, #tpu.memory_space<hbm>>) target(%arg8 : memref<1024xi32, #tpu.memory_space<vmem>>) target_semaphore(%arg12 : memref<!tpu.dma_semaphore, #tpu.memory_space<semaphore_mem>>)
      } else {
      }
      %parallel_loop3A_264 = arith.constant 0 : i32
      %parallel_loop3A_265 = arith.constant 1024 : i32
      %parallel_loop3A_266 = arith.constant 16 : i32
      scf.for %parallel_loop3A_317 = %parallel_loop3A_264 to %parallel_loop3A_265 step %parallel_loop3A_266  : i32 {
        %parallel_loop3A_318 = arith.index_cast %parallel_loop3A_317 : i32 to index
        %parallel_loop3A_319 = tpu.vector_load %arg9[%parallel_loop3A_318] {strides = array<i32>} : memref<1024xi32, #tpu.memory_space<vmem>>, vector<16xi32>,
        %parallel_loop3A_320 = tpu.vector_load_idx %arg5[%parallel_loop3A_319] : memref<100000xf32, #tpu.memory_space<vmem>>[vector<16xi32>], vector<16xf32>,
        %parallel_loop3A_321 = arith.index_cast %parallel_loop3A_317 : i32 to index
        %parallel_loop3A_322 = tpu.vector_load %arg11[%parallel_loop3A_321] {strides = array<i32>} : memref<1024xf32, #tpu.memory_space<vmem>>, vector<16xf32>,
        tpu.vector_store %arg11[%parallel_loop3A_321], %parallel_loop3A_320 {strides = array<i32>} : memref<1024xf32, #tpu.memory_space<vmem>>, vector<16xf32>,
      } {sc.loop_unroll_factor = 8 : i64, sc.parallel_access}
      %add3A_267 = arith.constant 1 : i32
      %add3A_268 = arith.addi %mul3A_63, %add3A_267 : i32
      %jit3A_269 = arith.constant 16 : i32
      %div3A_270 = arith.divsi %add3A_268, %jit3A_269 : i32
      %sign3A_271 = arith.constant 0 : i32
      %sign3A_272 = arith.cmpi sgt, %add3A_268, %sign3A_271 : i32
      %sign3A_273 = arith.extui %sign3A_272 : i1 to i32
      %sign3A_274 = arith.constant 0 : i32
      %sign3A_275 = arith.cmpi slt, %add3A_268, %sign3A_274 : i32
      %sign3A_276 = arith.extui %sign3A_275 : i1 to i32
      %sign3A_277 = arith.subi %sign3A_273, %sign3A_276 : i32
      %sign3A_278 = arith.constant 0 : i32
      %sign3A_279 = arith.cmpi sgt, %jit3A_269, %sign3A_278 : i32
      %sign3A_280 = arith.extui %sign3A_279 : i1 to i32
      %sign3A_281 = arith.constant 0 : i32
      %sign3A_282 = arith.cmpi slt, %jit3A_269, %sign3A_281 : i32
      %sign3A_283 = arith.extui %sign3A_282 : i1 to i32
      %sign3A_284 = arith.subi %sign3A_280, %sign3A_283 : i32
      %ne3A_285 = arith.cmpi ne, %sign3A_277, %sign3A_284 : i32
      %rem3A_286 = arith.remsi %add3A_268, %jit3A_269 : i32
      %ne3A_287 = arith.constant 0 : i32
      %ne3A_288 = arith.cmpi ne, %rem3A_286, %ne3A_287 : i32
      %and3A_289 = arith.andi %ne3A_285, %ne3A_288 : i1
      %sub3A_290 = arith.constant 1 : i32
      %sub3A_291 = arith.subi %div3A_270, %sub3A_290 : i32
      %select_n3A_292 = arith.select %and3A_289, %sub3A_291, %div3A_270 : i32
      %add3A_293 = arith.constant 48 : i32
      %add3A_294 = arith.addi %add3A_293, %select_n3A_292 : i32
      %jit3A_295 = arith.constant 16 : i32
      %eq3A_296 = arith.constant 0 : i32
      %eq3A_297 = arith.cmpi eq, %jit3A_295, %eq3A_296 : i32
      %jit3A_298 = arith.constant 1 : i32
      %select_n3A_299 = arith.select %eq3A_297, %jit3A_298, %jit3A_295 : i32
      %rem3A_300 = arith.remsi %add3A_268, %select_n3A_299 : i32
      %ne3A_301 = arith.constant 0 : i32
      %ne3A_302 = arith.cmpi ne, %rem3A_300, %ne3A_301 : i32
      %lt3A_303 = arith.constant 0 : i32
      %lt3A_304 = arith.cmpi slt, %rem3A_300, %lt3A_303 : i32
      %lt3A_305 = arith.constant 0 : i32
      %lt3A_306 = arith.cmpi slt, %select_n3A_299, %lt3A_305 : i32
      %ne3A_307 = arith.xori %lt3A_304, %lt3A_306 : i1
      %and3A_308 = arith.andi %ne3A_307, %ne3A_302 : i1
      %add3A_309 = arith.addi %rem3A_300, %select_n3A_299 : i32
      %select_n3A_310 = arith.select %and3A_308, %add3A_309, %rem3A_300 : i32
      %mul3A_311 = arith.constant 1024 : i32
      %mul3A_312 = arith.muli %select_n3A_310, %mul3A_311 : i32
      %dma_start3A_313 = tpu.memref_slice %arg4[%add3A_294, %add3A, %mul3A_312] : memref<50x32x16384xf32, #tpu.memory_space<hbm>> -> memref<1x1x1024xf32, #tpu.memory_space<hbm>>
      %dma_start3A_314 = tpu.memref_squeeze %dma_start3A_313 : memref<1x1x1024xf32, #tpu.memory_space<hbm>> -> memref<1024xf32, #tpu.memory_space<hbm>>
      %dma_start3A_315 = tpu.memref_slice %arg4[%add3A_294, %add3A, %mul3A_312] : memref<50x32x16384xf32, #tpu.memory_space<hbm>> -> memref<1x1x1024xf32, #tpu.memory_space<hbm>>
      %dma_start3A_316 = tpu.memref_squeeze %dma_start3A_315 : memref<1x1x1024xf32, #tpu.memory_space<hbm>> -> memref<1024xf32, #tpu.memory_space<hbm>>
      tpu.enqueue_dma source(%arg11 : memref<1024xf32, #tpu.memory_space<vmem>>) target(%dma_start3A_316 : memref<1024xf32, #tpu.memory_space<hbm>>) target_semaphore(%arg15 : memref<!tpu.dma_semaphore, #tpu.memory_space<semaphore_mem>>)
    }
    %scan3A_46 = arith.constant 16 : i32
    %dma_wait3A_47 = arith.constant 49 : i32
    %dma_wait3A_48 = arith.constant 14336 : i32
    %dma_wait3A_49 = tpu.memref_slice %arg4[%dma_wait3A_47, %add3A, %dma_wait3A_48] : memref<50x32x16384xf32, #tpu.memory_space<hbm>> -> memref<1x1x1024xf32, #tpu.memory_space<hbm>>
    %dma_wait3A_50 = tpu.memref_squeeze %dma_wait3A_49 : memref<1x1x1024xf32, #tpu.memory_space<hbm>> -> memref<1024xf32, #tpu.memory_space<hbm>>
    %dma_wait3A_51 = arith.constant 14336 : i32
    %dma_wait3A_52 = tpu.memref_slice %arg4[%dma_wait3A_47, %add3A, %dma_wait3A_51] : memref<50x32x16384xf32, #tpu.memory_space<hbm>> -> memref<1x1x1024xf32, #tpu.memory_space<hbm>>
    %dma_wait3A_53 = tpu.memref_squeeze %dma_wait3A_52 : memref<1x1x1024xf32, #tpu.memory_space<hbm>> -> memref<1024xf32, #tpu.memory_space<hbm>>
    tpu.wait_dma2 semaphore(%arg14 : memref<!tpu.dma_semaphore, #tpu.memory_space<semaphore_mem>>) src(%arg10 : memref<1024xf32, #tpu.memory_space<vmem>>) dst(%dma_wait3A_53 : memref<1024xf32, #tpu.memory_space<hbm>>)
    %dma_wait3A_54 = arith.constant 49 : i32
    %dma_wait3A_55 = arith.constant 15360 : i32
    %dma_wait3A_56 = tpu.memref_slice %arg4[%dma_wait3A_54, %add3A, %dma_wait3A_55] : memref<50x32x16384xf32, #tpu.memory_space<hbm>> -> memref<1x1x1024xf32, #tpu.memory_space<hbm>>
    %dma_wait3A_57 = tpu.memref_squeeze %dma_wait3A_56 : memref<1x1x1024xf32, #tpu.memory_space<hbm>> -> memref<1024xf32, #tpu.memory_space<hbm>>
    %dma_wait3A_58 = arith.constant 15360 : i32
    %dma_wait3A_59 = tpu.memref_slice %arg4[%dma_wait3A_54, %add3A, %dma_wait3A_58] : memref<50x32x16384xf32, #tpu.memory_space<hbm>> -> memref<1x1x1024xf32, #tpu.memory_space<hbm>>
    %dma_wait3A_60 = tpu.memref_squeeze %dma_wait3A_59 : memref<1x1x1024xf32, #tpu.memory_space<hbm>> -> memref<1024xf32, #tpu.memory_space<hbm>>
    tpu.wait_dma2 semaphore(%arg15 : memref<!tpu.dma_semaphore, #tpu.memory_space<semaphore_mem>>) src(%arg11 : memref<1024xf32, #tpu.memory_space<vmem>>) dst(%dma_wait3A_60 : memref<1024xf32, #tpu.memory_space<hbm>>)
    return
  }
}

</mosaic_0001>

<sc_bundles>
// kernel: kernel.3.cloned.1.call-start
scs
__scs_entry_jumppad:
0x0: {  	(pc) =	sbr.rel $0x88, $3  }
0x1: {  	(tag) =	ssettag $0x0;
	lr =	simm.s32 $0x1  }
0x2: {  	[smem:$0x3F9F] =	sst lr;
	_ =	strace $0xD0000000  }
0x3: {  	_ = 	snop  }
0x4: {  	_ = 	snop  }
0x5: {  	_ = 	snop  }
0x6: {  	_ = 	snop  }
0x7: {  	_ = 	snop  }
__scs_overlays_trampoline_lowered:
0x8: {  	[smem:$0x3FAE] =	sst s0  }
0x9: {  	[smem:$0x3FAF] =	sst s1  }
0xa: {  	[smem:$0x3FB0] =	sst s2  }
0xb: {  	[smem:$0x3FB1] =	sst s3  }
0xc: {  	[smem:$0x3FB2] =	sst s4  }
0xd: {  	[smem:$0x3FB3] =	sst s5  }
0xe: {  	[smem:$0x3FB4] =	sst s6  }
0xf: {  	[smem:$0x3FB5] =	sst s7  }
0x10: {  	[smem:$0x3FB6] =	sst s8  }
0x11: {  	[smem:$0x3FB7] =	sst s9;
	s0 =	simm.s32 @!p0 $0x0  }
0x12: {  	s1 =	sld [smem:$0x3F9D];
	s0 =	simm.s32 @p0 $0x1  }
0x13: {  	[smem:$0x3FB8] =	sst s0;
	s0 =	simm.s32 @!p1 $0x0  }
0x14: {  	s2 =	sld [smem:$0x3F9C];
	s0 =	simm.s32 @p1 $0x1  }
0x15: {  	[smem:$0x3FB9] =	sst s0;
	s0 =	simm.s32 @!p2 $0x0  }
0x16: {  	s3 =	sld [smem:$0x3FDB];
	s0 =	simm.s32 @p2 $0x1  }
0x17: {  	s4 =	simm.s32 $0x1BF5;
	[smem:$0x3FBB] =	sst s0  }
0x18: {  	s0 =	sld [smem:$0x3F9E];
	_ =	swait.ge [sflag:s4], $0x0  }
0x19: {  	s7 =	sld [smem:$0x3F9F]  }
0x1a: {  	s8 =	sadd.s32 $0xFFFFE003, lr  }
0x1b: {  	s9 =	sadd.s32 $0xFFFFFEF7, lr;
	s5 =	simm.s32 $0xFFFFFFFF;
	p2 =	slt.u32 s8, $0xFFFFF086  }
0x1c: {  	p1 =	slt.u32 s9, $0xF7A;
	s5 =	simm.s32 @!p2 $0x0  }
0x1d: {  	s5 =	simm.s32 @p1 $0x1;
	p0 =	seq.s32 s7, s2  }
0x1e: {  	s7 =	smul.u32 @!p0 $0xF7A, s2;
	p2 =	seq.s32 @!p0 s5, $0x0  }
0x1f: {  	s9 =	smul.u32 $0xF7A, s1;
	s8 =	simm.s32 @!p0 $0x1BF5;
	p2 =	por !p2, p0  }
0x20: {  	[sflag:s8] =	ssyncset.s32 @!p0 $0xFFFFF086;
	s6 =	sadd.s32 @!p0 s3, s7;
	s7 =	simm.s32 @!p0 $0x108  }
0x21: {  	s3 =	sadd.s32 s3, s9;
	s6 =	sadd.s32 @!p0 $0x88, s6;
	s7 =	simm.s32 @p2 $0x1082  }
0x22: {  	[simem:s7], [sflag:s8] =	dma.local @!p0 [hbm:s6], $0xF7A  }
0x23: {  	s9 =	sor.u32 $0xD0000000, s2;
	s6 =	simm.s32 $0x108;
	_ =	swait.ge @!p0 [sflag:s8], $0x0  }
0x24: {  	s3 =	sadd.s32 $0x88, s3;
	s6 =	simm.s32 @!p1 $0x1082;
	[sflag:s4] =	ssyncset.s32 $0xFFFFF086  }
0x25: {  	[simem:s6], [sflag:s4] =	dma.local [hbm:s3], $0xF7A  }
0x26: {  	[smem:$0x3F9F] =	sst s1;
	(tag) =	ssettag s2;
	_ =	strace s9  }
0x27: {  	s1 =	sld [smem:$0x3FAF]  }
0x28: {  	s2 =	sld [smem:$0x3FB0]  }
0x29: {  	s4 =	sld [smem:$0x3FB2]  }
0x2a: {  	p0 =	seq.s32 s5, $0x0;
	s5 =	sld [smem:$0x3FB3]  }
0x2b: {  	s6 =	sld [smem:$0x3FB4]  }
0x2c: {  	s7 =	sld [smem:$0x3FB5]  }
0x2d: {  	s3 =	simm.s32 $0x108;
	s8 =	sld [smem:$0x3FB6]  }
0x2e: {  	s3 =	simm.s32 @!p0 $0x1082;
	s9 =	sld [smem:$0x3FB7]  }
0x2f: {  	lr =	sadd.s32 s0, s3;
	s0 =	sld [smem:$0x3FAE]  }
0x30: {  	s3 =	sld [smem:$0x3FB1]  }
0x31: {  	[smem:$0x3FBA] =	sst s10  }
0x32: {  	s10 =	sld [smem:$0x3FB8];
	_ =	sdelay $0x3  }
0x33: {  	p0 =	seq.s32 s10, $0x1;
	s10 =	sld [smem:$0x3FBA];
	_ =	sdelay $0x3  }
0x34: {  	[smem:$0x3FBA] =	sst s10  }
0x35: {  	s10 =	sld [smem:$0x3FB9];
	_ =	sdelay $0x3  }
0x36: {  	p1 =	seq.s32 s10, $0x1;
	s10 =	sld [smem:$0x3FBA];
	_ =	sdelay $0x3  }
0x37: {  	[smem:$0x3FBA] =	sst s10  }
0x38: {  	s10 =	sld [smem:$0x3FBB]  }
0x39: {  	_ = 	snop;
	(pc) =	sbr.ind lr, $3  }
0x3a: {  	_ = 	snop  }
0x3b: {  	_ = 	snop  }
0x3c: {  	p2 =	seq.s32 s10, $0x1;
	s10 =	sld [smem:$0x3FBA]  }
0x3d: {  	_ =	shalt  }
0x3e: {  	_ =	shalt  }
0x3f: {  	_ =	shalt  }
0x40: {  	_ =	shalt  }
0x41: {  	_ =	shalt  }
0x42: {  	_ =	shalt  }
0x43: {  	_ =	shalt  }
0x44: {  	_ =	shalt  }
0x45: {  	_ =	shalt  }
0x46: {  	_ =	shalt  }
0x47: {  	_ =	shalt  }
0x48: {  	_ =	shalt  }
0x49: {  	_ =	shalt  }
0x4a: {  	_ =	shalt  }
0x4b: {  	_ =	shalt  }
0x4c: {  	_ =	shalt  }
0x4d: {  	_ =	shalt  }
0x4e: {  	_ =	shalt  }
0x4f: {  	_ =	shalt  }
0x50: {  	_ =	shalt  }
0x51: {  	_ =	shalt  }
0x52: {  	_ =	shalt  }
0x53: {  	_ =	shalt  }
0x54: {  	_ =	shalt  }
0x55: {  	_ =	shalt  }
0x56: {  	_ =	shalt  }
0x57: {  	_ =	shalt  }
0x58: {  	_ =	shalt  }
0x59: {  	_ =	shalt  }
0x5a: {  	_ =	shalt  }
0x5b: {  	_ =	shalt  }
0x5c: {  	_ =	shalt  }
0x5d: {  	_ =	shalt  }
0x5e: {  	_ =	shalt  }
0x5f: {  	_ =	shalt  }
0x60: {  	_ =	shalt  }
0x61: {  	_ =	shalt  }
0x62: {  	_ =	shalt  }
0x63: {  	_ =	shalt  }
0x64: {  	_ =	shalt  }
0x65: {  	_ =	shalt  }
0x66: {  	_ =	shalt  }
0x67: {  	_ =	shalt  }
0x68: {  	_ =	shalt  }
0x69: {  	_ =	shalt  }
0x6a: {  	_ =	shalt  }
0x6b: {  	_ =	shalt  }
0x6c: {  	_ =	shalt  }
0x6d: {  	_ =	shalt  }
0x6e: {  	_ =	shalt  }
0x6f: {  	_ =	shalt  }
0x70: {  	_ =	shalt  }
0x71: {  	_ =	shalt  }
0x72: {  	_ =	shalt  }
0x73: {  	_ =	shalt  }
0x74: {  	_ =	shalt  }
0x75: {  	_ =	shalt  }
0x76: {  	_ =	shalt  }
0x77: {  	_ =	shalt  }
0x78: {  	_ =	shalt  }
0x79: {  	_ =	shalt  }
0x7a: {  	_ =	shalt  }
0x7b: {  	_ =	shalt  }
0x7c: {  	_ =	shalt  }
0x7d: {  	_ =	shalt  }
0x7e: {  	_ =	shalt  }
0x7f: {  	_ =	shalt  }
0x80: {  	_ =	shalt  }
0x81: {  	_ =	shalt  }
0x82: {  	_ =	shalt  }
0x83: {  	_ =	shalt  }
0x84: {  	_ =	shalt  }
0x85: {  	_ =	shalt  }
0x86: {  	_ =	shalt  }
0x87: {  	_ =	shalt  }
.Lfunc_end0:
.L_simem_size_0:
called_computation_lowered:
.L_overlay_start_0:
0x88: {  	s2 =	sld [smem:$0x3FD9]  }
0x89: {  	s3 =	sld [smem:$0x3FFE];
	_ =	sdelay $0x1  }
0x8a: {  	s1 =	srdreg.scid  }
0x8b: {  	s0 =	sand.u32 $0x1, s1  }
0x8c: {  	s18 =	sshll.u32 s0, $0xA;
	s2 =	sadd.s32 s3, s2  }
0x8d: {  	s2 =	sadd.s32 s2, s18  }
0x8e: {  	[smem:$0x3FC6] =	sst s2  }
0x8f: {  	_ = 	snop  }
0x90: {  	s2 =	sld [smem:$0x3FC9]  }
0x91: {  	s19 =	sld [smem:$0x3FC8]  }
0x92: {  	s4 =	sld [smem:$0x3FD0];
	(tm) =	ssettm $0x1  }
0x93: {  	s5 =	sld [smem:$0x3FFB];
	_ =	sdelay $0x3  }
0x94: {  	_ =	strace s5  }
0x95: {  	s5 =	sld [smem:$0x3FFC];
	_ =	sdelay $0x3  }
0x96: {  	_ =	strace s5  }
0x97: {  	s5 =	sld [smem:$0x3FFD];
	_ =	sdelay $0x3  }
0x98: {  	_ =	strace s5  }
0x99: {  	_ =	strace $0x8FFFFFFF  }
0x9a: {  	s20 =	sld [smem:$0x3FDB];
	_ =	sdelay $0x1  }
0x9b: {  	s6 =	simm.s32 $_scs_section_size  }
0x9c: {  	s7 =	simm.s32 $_size__tile_overlayer_lowered;
	s8 =	simm.s32 $_tile_overlayer_lowered  }
0x9d: {  	s23 =	simm.s32 $0x1BFF;
	s22 =	sshll.u32 s8, $0x1;
	s5 =	sadd.s32 s6, s20  }
0x9e: {  	s9 =	simm.s32 $0x0;
	s21 =	sshll.u32 s7, $0x1;
	s7 =	sadd.s32 s22, s5  }
0x9f: {  	[timem:s9], [sflag:s23] =	dma.local [hbm:s7], s21  }
0xa0: {  	_ =	swait.ge [sflag:s23], s21  }
0xa1: {  	s6 =	ssub.s32 $0x0, s21;
	[sflag:s23] =	ssyncset.done $0x0  }
0xa2: {  	[sflag:s23] =	ssyncadd.s32 s6;
	_ =	sdelay $0x1  }
0xa3: {  	s24 =	simm.s32 $0x1B8B  }
0xa4: {  	_ =	swait.ge [sflag:s24], $0x1  }
0xa5: {  	[sflag:s24] =	ssyncset.done $0x0  }
0xa6: {  	s25 =	simm.s32 $0x1B8E;
	[sflag:s24] =	ssyncadd.s32 $0xFFFFFFFF  }
0xa7: {  	s26 =	simm.s32 $execute0_lowered;
	[smem:$0x3FD2] =	sst s25  }
0xa8: {  	s6 =	sshll.u32 s26, $0x1;
	_ =	strace $0x80000046;
	[dreg:$0x1] =	wrdreg $0xFFFFFFFF  }
0xa9: {  	s28 =	simm.s32 $_size_execute0_lowered;
	s5 =	sadd.s32 s5, s6;
	[dreg:$0x0] =	wrdreg $0x0  }
0xaa: {  	s6 =	sshll.u32 s28, $0x1;
	[dreg:$0x2] =	wrdreg s5  }
0xab: {  	[dreg:$0x3] =	wrdreg s6  }
0xac: {  	[dreg:$0x4] =	wrdreg $0xC0  }
0xad: {  	_ =	task [dreg:s9], $0x5FFFF  }
0xae: {  	[dreg:$0x1] =	wrdreg $0xFFFFFFFF  }
0xaf: {  	[dreg:$0x0] =	wrdreg $0x60  }
0xb0: {  	[dreg:$0x2] =	wrdreg s2  }
0xb1: {  	[dreg:$0x3] =	wrdreg s19  }
0xb2: {  	[dreg:$0x4] =	wrdreg s4  }
0xb3: {  	[dreg:$0x5] =	wrdreg $0x9  }
0xb4: {  	_ =	task.clear_ibuf [dreg:s9], $0x6FFFF;
	_ =	strace $0x90000046  }
0xb5: {  	s29 =	simm.s32 $0x9;
	_ =	strace $0x80000048  }
0xb6: {  	_ =	swait.ge [sflag:s29], $0x1  }
0xb7: {  	[sflag:s29] =	ssyncadd.s32 $0xFFFFFFFF  }
0xb8: {  	_ =	strace $0x90000048  }
0xb9: {  	_ =	sfence  }
0xba: {  	s30 =	sld [smem:$0x0];
	_ =	sdelay $0x2  }
0xbb: {  	s31 =	sshll.u32 s1, $0xD;
	s1 =	sshrl.u32 s1, $0x2  }
0xbc: {  	s3 =	sand.u32 $0x4000, s31;
	s1 =	sadd.s32 s1, s30  }
0xbd: {  	s0 =	sor.u32 s3, s0;
	s1 =	sshll.u32 s1, $0x11  }
0xbe: {  	s0 =	sor.u32 s1, s0  }
0xbf: {  	s0 =	sadd.s32 $0x8F2B, s0  }
0xc0: {  	[sflag:s0] =	ssyncadd.remote.s32 $0x1  }
0xc1: {  	_ =	sfence.sel $0xFFFF  }
0xc2: {  	[dreg:$0x0] =	wrdreg $0xFFFFFFFF;
	(pc) =	sbr.abs _section_cstart, $3  }
0xc3: {  	[dreg:$0x1] =	wrdreg $0xFFFFFFFF  }
0xc4: {  	_ =	task.clear_ibuf [dreg:s9], $0x2FFFF;
	_ =	strace $0x9FFFFFFF  }
0xc5: {  	(tm) =	ssettm $0x7FFFFFFF  }
tec
execute0_lowered:
.L_overlay_start_1:
0x0: {  	(tag) =	ssettag $0x1  }
0x1: {  	s1 =	rddreg [dreg:$0x0]  }
0x2: {  	s0 =	rddreg [dreg:$0x1]  }
0x3: {  	s2 =	rddreg [dreg:$0x2];
	s3 =	srdreg.scid  }
0x4: {  	s4 =	stileid.u32;
	s18 =	simm.s32 $0x80;
	s19 =	simm.s32 $0x400  }
0x5: {  	s22 =	simm.s32 $0x1;
	s24 =	simm.s32 $0x1CF00;
	s25 =	simm.s32 $0x1D300  }
0x6: {  	s26 =	simm.s32 $0x3;
	s28 =	simm.s32 $0x4;
	s29 =	simm.s32 $0x2  }
0x7: {  	s3 =	sand.u32 $0x1, s3;
	s6 =	sshrl.u32 s4, $0x2;
	s4 =	sshll.u32 s4, $0x8  }
0x8: {  	s9 =	sadd.s32 $0x20000, s2;
	s10 =	sadd.s32 $0x30000, s2;
	s11 =	sadd.s32 $0x40000, s2  }
0x9: {  	s12 =	sadd.s32 $0x50000, s2;
	s13 =	sadd.s32 $0x60000, s2;
	s14 =	sadd.s32 $0x70000, s2  }
0xa: {  	s15 =	sadd.s32 $0x800, s1;
	s16 =	sadd.s32 $0x18000, s1;
	s5 =	sshll.u32 s3, $0x7  }
0xb: {  	s7 =	sand.u32 $0x300, s4;
	s8 =	smul.u32 $0xC3800, s6;
	s3 =	ssub.s32 $0x2, s3  }
0xc: {  	s4 =	simm.s32 $0x0;
	s5 =	sor.u32 s5, s7;
	s30 =	sshrl.u32 s3, $0x1  }
0xd: {  	[smem:$0x7FF] =	sst s4;
	s7 =	sor.u32 s8, s5;
	s3 =	ssub.s32 s3, s30  }
0xe: {  	_ =	strace $0x80000047;
	s7 =	sshrl.u32 s7, $0x3;
	s31 =	smax.u32 s3, $0x1  }
0xf: {  	s8 =	sadd.s32 $0x10000, s2;
	s0 =	sadd.s32 s0, s7;
	[dreg:$0x5] =	wrdreg s31  }
0x10: {  	s3 =	simm.s32 $0x0;
	s7 =	sshll.u32 s6, $0x11;
	[dreg:$0x4] =	wrdreg s0  }
.LBB2_1:
0x11: {  	s0 =	rddreg [dreg:$0x4]  }
0x12: {  	[tilespmem:s4], [sflag:$0x5] =	stream.strided.gather [hbm4b:s0+s18], $0x18700, s19, s18, $0x38;
	[tilespmem:$0x1D700] =	vst v63  }
0x13: {  	[dreg:$0x6] =	wrdreg s3;
	s30 =	simm.s32 $0x18700;
	s31 =	simm.s32 $0x5  }
0x14: {  	[tilespmem:s30], [sflag:$0x1] =	stream.linear.gather [hbm4b:s1+s4], $0x2000, $0x38;
	[tilespmem:$0x1D700] =	vst v63  }
0x15: {  	_ =	swait.ge [sflag:s31], $0x18700  }
0x16: {  	[sflag:s31] =	ssyncset.done $0x0  }
0x17: {  	s0 =	simm.s32 $0x0;
	[sflag:s31] =	ssyncadd.s32 $0xFFFE7900  }
.LBB2_2:
0x18: {  	s3 =	sshll.u32 s0, $0xE  }
0x19: {  	s6 =	sshrl.u32 s0, $0x3;
	s17 =	sand.u32 $0x1C000, s3  }
0x1a: {  	s23 =	sshll.u32 s6, $0x11;
	s20 =	sor.u32 $0x2000, s17  }
0x1b: {  	_ =	swait.ge [sflag:s22], $0x2000;
	s3 =	sor.u32 s23, s20  }
0x1c: {  	s21 =	simm.s32 $0x1A700;
	[sflag:s22] =	ssyncset.done $0x0;
	s3 =	sshrl.u32 s3, $0x3  }
0x1d: {  	p0 =	seq.s32 s0, $0x0;
	[sflag:s22] =	ssyncadd.s32 $0xFFFFE000;
	s3 =	sadd.s32 s1, s3  }
0x1e: {  	[tilespmem:s21], [sflag:$0x2] =	stream.linear.gather [hbm4b:s3+s4], $0x2000, $0x38;
	[tilespmem:$0x1D700] =	vst v63  }
0x1f: {  	s3 =	simm.s32 @!p0 $0x3  }
0x20: {  	_ =	swait.ge @!p0 [sflag:s3], $0x400  }
0x21: {  	[sflag:s3] =	ssyncset.done @!p0 $0x0  }
0x22: {  	s31 =	simm.s32 $0x18740;
	[sflag:s3] =	ssyncadd.s32 @!p0 $0xFFFFFC00  }
0x23: {  	v0 =	vld [tilespmem:s31+$0x30]  }
0x24: {  	v1 =	vld [tilespmem:s31+$0xFFFFFFD0]  }
0x25: {  	v2 =	vld [tilespmem:s31+$0xFFFFFFE0]  }
0x26: {  	v3 =	vld [tilespmem:s31+$0xFFFFFFF0]  }
0x27: {  	v6 =	vld [tilespmem:s31+$0x0]  }
0x28: {  	v7 =	vld [tilespmem:s31+$0x10]  }
0x29: {  	v8 =	vld [tilespmem:s31+$0x20]  }
0x2a: {  	v9 =	vld [tilespmem:s31+$0xFFFFFFC0]  }
0x2b: {  	v10 =	vld.idx.msk [tilespmem:v0+s4+$0x0], $0xffff  }
0x2c: {  	v11 =	vld.idx.msk [tilespmem:v1+s4+$0x0], $0xffff  }
0x2d: {  	v5 =	vld.idx.msk [tilespmem:v2+s4+$0x0], $0xffff  }
0x2e: {  	v4 =	vld.idx.msk [tilespmem:v3+s4+$0x0], $0xffff  }
0x2f: {  	v2 =	vld.idx.msk [tilespmem:v6+s4+$0x0], $0xffff  }
0x30: {  	s21 =	simm.s32 $0x1CF40;
	v0 =	vld.idx.msk [tilespmem:v7+s4+$0x0], $0xffff  }
0x31: {  	s30 =	sshll.u32 s0, $0xB;
	v1 =	vld.idx.msk [tilespmem:v8+s4+$0x0], $0xffff;
	[tilespmem:s21+$0x30] =	vst v10  }
0x32: {  	s23 =	simm.s32 $0x18B40;
	s3 =	sshll.u32 s6, $0x16;
	s6 =	simm.s32 $0x0;
	v3 =	vld.idx.msk [tilespmem:v9+s4+$0x0], $0xffff;
	[tilespmem:s21+$0xFFFFFFD0] =	vst v11  }
.LBB2_3:
0x33: {  	v6 =	vld [tilespmem:s23+$0x30];
	s6 =	sadd.s32 $0x80, s6;
	[tilespmem:s21+$0xFFFFFFE0] =	vst v5  }
0x34: {  	v5 =	vld [tilespmem:s23+$0xFFFFFFD0];
	p1 =	slt.u32 s6, $0x380;
	[tilespmem:s21+$0xFFFFFFF0] =	vst v4  }
0x35: {  	v4 =	vld [tilespmem:s23+$0xFFFFFFE0];
	[tilespmem:s21+$0x0] =	vst v2  }
0x36: {  	v2 =	vld [tilespmem:s23+$0xFFFFFFF0];
	[tilespmem:s21+$0x10] =	vst v0  }
0x37: {  	v0 =	vld [tilespmem:s23+$0x0];
	[tilespmem:s21+$0x20] =	vst v1  }
0x38: {  	v1 =	vld [tilespmem:s23+$0x10];
	[tilespmem:s21+$0xFFFFFFC0] =	vst v3  }
0x39: {  	v3 =	vld [tilespmem:s23+$0x20]  }
0x3a: {  	v7 =	vld [tilespmem:s23+$0xFFFFFFC0]  }
0x3b: {  	v6 =	vld.idx.msk [tilespmem:v6+s4+$0x0], $0xffff  }
0x3c: {  	v8 =	vld.idx.msk [tilespmem:v5+s4+$0x0], $0xffff  }
0x3d: {  	v5 =	vld.idx.msk [tilespmem:v4+s4+$0x0], $0xffff  }
.Ltmp0:
0x3e: {  	v4 =	vld.idx.msk [tilespmem:v2+s4+$0x0], $0xffff;
	(pc) =	sbr.rel @p1 .LBB2_3-.Ltmp0, $4  }
0x3f: {  	v2 =	vld.idx.msk [tilespmem:v0+s4+$0x0], $0xffff  }
0x40: {  	s21 =	sadd.s32 $0x80, s21;
	v0 =	vld.idx.msk [tilespmem:v1+s4+$0x0], $0xffff  }
0x41: {  	v1 =	vld.idx.msk [tilespmem:v3+s4+$0x0], $0xffff;
	[tilespmem:s21+$0x30] =	vst v6  }
0x42: {  	s23 =	sadd.s32 $0x400, s23;
	v3 =	vld.idx.msk [tilespmem:v7+s4+$0x0], $0xffff;
	[tilespmem:s21+$0xFFFFFFD0] =	vst v8  }
0x43: {  	[tilespmem:s21+$0xFFFFFFE0] =	vst v5  }
0x44: {  	[tilespmem:s21+$0xFFFFFFF0] =	vst v4  }
0x45: {  	s6 =	sor.u32 s7, s3;
	s23 =	sor.u32 s5, s17;
	[tilespmem:s21+$0x0] =	vst v2  }
0x46: {  	s3 =	sor.u32 s6, s23;
	[tilespmem:s21+$0x10] =	vst v0  }
0x47: {  	s17 =	sshrl.u32 s3, $0x3;
	[tilespmem:s21+$0x20] =	vst v1  }
0x48: {  	s3 =	sadd.s32 s2, s17;
	[tilespmem:s21+$0xFFFFFFC0] =	vst v3  }
0x49: {  	[hbm4b:s3+s18] =	stream.strided.scatter [tilespmem:s24], [sflag:$0x3], $0x400, s19, s18, $0x38;
	[tilespmem:$0x1D700] =	vst v63  }
0x4a: {  	s3 =	simm.s32 @!p0 $0x4  }
0x4b: {  	_ =	swait.ge @!p0 [sflag:s3], $0x400  }
0x4c: {  	[sflag:s3] =	ssyncset.done @!p0 $0x0  }
0x4d: {  	s31 =	simm.s32 $0x187F0;
	[sflag:s3] =	ssyncadd.s32 @!p0 $0xFFFFFC00  }
0x4e: {  	v0 =	vld [tilespmem:s31+$0x0]  }
0x4f: {  	v1 =	vld [tilespmem:s31+$0xFFFFFFA0]  }
0x50: {  	v2 =	vld [tilespmem:s31+$0xFFFFFFB0]  }
0x51: {  	v3 =	vld [tilespmem:s31+$0xFFFFFFC0]  }
0x52: {  	v4 =	vld [tilespmem:s31+$0xFFFFFFD0]  }
0x53: {  	v6 =	vld [tilespmem:s31+$0xFFFFFFE0]  }
0x54: {  	v7 =	vld [tilespmem:s31+$0xFFFFFFF0]  }
0x55: {  	v8 =	vld [tilespmem:s31+$0xFFFFFF90]  }
0x56: {  	v9 =	vld.idx.msk [tilespmem:v0+s4+$0x0], $0xffff  }
0x57: {  	v10 =	vld.idx.msk [tilespmem:v1+s4+$0x0], $0xffff  }
0x58: {  	v5 =	vld.idx.msk [tilespmem:v2+s4+$0x0], $0xffff  }
0x59: {  	v3 =	vld.idx.msk [tilespmem:v3+s4+$0x0], $0xffff  }
0x5a: {  	v0 =	vld.idx.msk [tilespmem:v4+s4+$0x0], $0xffff  }
0x5b: {  	s21 =	simm.s32 $0x1D340;
	v1 =	vld.idx.msk [tilespmem:v6+s4+$0x0], $0xffff  }
0x5c: {  	v2 =	vld.idx.msk [tilespmem:v7+s4+$0x0], $0xffff;
	[tilespmem:s21+$0x30] =	vst v9  }
0x5d: {  	s23 =	simm.s32 $0x18BF0;
	s3 =	simm.s32 $0x0;
	v4 =	vld.idx.msk [tilespmem:v8+s4+$0x0], $0xffff;
	[tilespmem:s21+$0xFFFFFFD0] =	vst v10  }
.LBB2_5:
0x5e: {  	v6 =	vld [tilespmem:s23+$0x0];
	s3 =	sadd.s32 $0x80, s3;
	[tilespmem:s21+$0xFFFFFFE0] =	vst v5  }
0x5f: {  	v5 =	vld [tilespmem:s23+$0xFFFFFFA0];
	p0 =	slt.u32 s3, $0x380;
	[tilespmem:s21+$0xFFFFFFF0] =	vst v3  }
0x60: {  	v3 =	vld [tilespmem:s23+$0xFFFFFFB0];
	[tilespmem:s21+$0x0] =	vst v0  }
0x61: {  	v0 =	vld [tilespmem:s23+$0xFFFFFFC0];
	[tilespmem:s21+$0x10] =	vst v1  }
0x62: {  	v1 =	vld [tilespmem:s23+$0xFFFFFFD0];
	[tilespmem:s21+$0x20] =	vst v2  }
0x63: {  	v2 =	vld [tilespmem:s23+$0xFFFFFFE0];
	[tilespmem:s21+$0xFFFFFFC0] =	vst v4  }
0x64: {  	v4 =	vld [tilespmem:s23+$0xFFFFFFF0]  }
0x65: {  	v7 =	vld [tilespmem:s23+$0xFFFFFF90]  }
0x66: {  	v6 =	vld.idx.msk [tilespmem:v6+s4+$0x0], $0xffff  }
0x67: {  	v8 =	vld.idx.msk [tilespmem:v5+s4+$0x0], $0xffff  }
0x68: {  	v5 =	vld.idx.msk [tilespmem:v3+s4+$0x0], $0xffff  }
.Ltmp1:
0x69: {  	v3 =	vld.idx.msk [tilespmem:v0+s4+$0x0], $0xffff;
	(pc) =	sbr.rel @p0 .LBB2_5-.Ltmp1, $4  }
0x6a: {  	v0 =	vld.idx.msk [tilespmem:v1+s4+$0x0], $0xffff  }
0x6b: {  	s21 =	sadd.s32 $0x80, s21;
	v1 =	vld.idx.msk [tilespmem:v2+s4+$0x0], $0xffff  }
0x6c: {  	v2 =	vld.idx.msk [tilespmem:v4+s4+$0x0], $0xffff;
	[tilespmem:s21+$0x30] =	vst v6  }
0x6d: {  	s23 =	sadd.s32 $0x400, s23;
	v4 =	vld.idx.msk [tilespmem:v7+s4+$0x0], $0xffff;
	[tilespmem:s21+$0xFFFFFFD0] =	vst v8  }
0x6e: {  	[tilespmem:s21+$0xFFFFFFE0] =	vst v5  }
0x6f: {  	[tilespmem:s21+$0xFFFFFFF0] =	vst v3  }
0x70: {  	[tilespmem:s21+$0x0] =	vst v0  }
0x71: {  	[tilespmem:s21+$0x10] =	vst v1  }
0x72: {  	[tilespmem:s21+$0x20] =	vst v2  }
0x73: {  	s3 =	sadd.s32 s17, s8;
	[tilespmem:s21+$0xFFFFFFC0] =	vst v4  }
0x74: {  	[hbm4b:s3+s18] =	stream.strided.scatter [tilespmem:s25], [sflag:$0x4], $0x400, s19, s18, $0x38;
	[tilespmem:$0x1D700] =	vst v63  }
0x75: {  	_ =	swait.ge [sflag:s26], $0x400  }
0x76: {  	[sflag:s26] =	ssyncset.done $0x0  }
0x77: {  	s23 =	simm.s32 $0x18870;
	[sflag:s26] =	ssyncadd.s32 $0xFFFFFC00  }
0x78: {  	v0 =	vld [tilespmem:s23+$0x0]  }
0x79: {  	v1 =	vld [tilespmem:s23+$0xFFFFFFA0]  }
0x7a: {  	v2 =	vld [tilespmem:s23+$0xFFFFFFB0]  }
0x7b: {  	v3 =	vld [tilespmem:s23+$0xFFFFFFC0]  }
0x7c: {  	v5 =	vld [tilespmem:s23+$0xFFFFFFD0]  }
0x7d: {  	v6 =	vld [tilespmem:s23+$0xFFFFFFE0]  }
0x7e: {  	v7 =	vld [tilespmem:s23+$0xFFFFFFF0]  }
0x7f: {  	v8 =	vld [tilespmem:s23+$0xFFFFFF90]  }
0x80: {  	v9 =	vld.idx.msk [tilespmem:v0+s4+$0x0], $0xffff  }
0x81: {  	v10 =	vld.idx.msk [tilespmem:v1+s4+$0x0], $0xffff  }
0x82: {  	v4 =	vld.idx.msk [tilespmem:v2+s4+$0x0], $0xffff  }
0x83: {  	v3 =	vld.idx.msk [tilespmem:v3+s4+$0x0], $0xffff  }
0x84: {  	v0 =	vld.idx.msk [tilespmem:v5+s4+$0x0], $0xffff  }
0x85: {  	s21 =	simm.s32 $0x1CF40;
	v1 =	vld.idx.msk [tilespmem:v6+s4+$0x0], $0xffff  }
0x86: {  	v2 =	vld.idx.msk [tilespmem:v7+s4+$0x0], $0xffff;
	[tilespmem:s21+$0x30] =	vst v9  }
0x87: {  	s31 =	simm.s32 $0x18C70;
	s3 =	sadd.s32 s17, s9;
	s23 =	simm.s32 $0x0;
	v5 =	vld.idx.msk [tilespmem:v8+s4+$0x0], $0xffff;
	[tilespmem:s21+$0xFFFFFFD0] =	vst v10  }
.LBB2_7:
0x88: {  	v6 =	vld [tilespmem:s31+$0x0];
	s23 =	sadd.s32 $0x80, s23;
	[tilespmem:s21+$0xFFFFFFE0] =	vst v4  }
0x89: {  	v4 =	vld [tilespmem:s31+$0xFFFFFFA0];
	p0 =	slt.u32 s23, $0x380;
	[tilespmem:s21+$0xFFFFFFF0] =	vst v3  }
0x8a: {  	v3 =	vld [tilespmem:s31+$0xFFFFFFB0];
	[tilespmem:s21+$0x0] =	vst v0  }
0x8b: {  	v0 =	vld [tilespmem:s31+$0xFFFFFFC0];
	[tilespmem:s21+$0x10] =	vst v1  }
0x8c: {  	v1 =	vld [tilespmem:s31+$0xFFFFFFD0];
	[tilespmem:s21+$0x20] =	vst v2  }
0x8d: {  	v2 =	vld [tilespmem:s31+$0xFFFFFFE0];
	[tilespmem:s21+$0xFFFFFFC0] =	vst v5  }
0x8e: {  	v5 =	vld [tilespmem:s31+$0xFFFFFFF0]  }
0x8f: {  	v7 =	vld [tilespmem:s31+$0xFFFFFF90]  }
0x90: {  	v6 =	vld.idx.msk [tilespmem:v6+s4+$0x0], $0xffff  }
0x91: {  	v8 =	vld.idx.msk [tilespmem:v4+s4+$0x0], $0xffff  }
0x92: {  	v4 =	vld.idx.msk [tilespmem:v3+s4+$0x0], $0xffff  }
.Ltmp2:
0x93: {  	v3 =	vld.idx.msk [tilespmem:v0+s4+$0x0], $0xffff;
	(pc) =	sbr.rel @p0 .LBB2_7-.Ltmp2, $4  }
0x94: {  	v0 =	vld.idx.msk [tilespmem:v1+s4+$0x0], $0xffff  }
0x95: {  	s21 =	sadd.s32 $0x80, s21;
	v1 =	vld.idx.msk [tilespmem:v2+s4+$0x0], $0xffff  }
0x96: {  	v2 =	vld.idx.msk [tilespmem:v5+s4+$0x0], $0xffff;
	[tilespmem:s21+$0x30] =	vst v6  }
0x97: {  	s31 =	sadd.s32 $0x400, s31;
	v5 =	vld.idx.msk [tilespmem:v7+s4+$0x0], $0xffff;
	[tilespmem:s21+$0xFFFFFFD0] =	vst v8  }
0x98: {  	[tilespmem:s21+$0xFFFFFFE0] =	vst v4  }
0x99: {  	[tilespmem:s21+$0xFFFFFFF0] =	vst v3  }
0x9a: {  	[tilespmem:s21+$0x0] =	vst v0  }
0x9b: {  	[tilespmem:s21+$0x10] =	vst v1  }
0x9c: {  	[tilespmem:s21+$0x20] =	vst v2  }
0x9d: {  	[tilespmem:s21+$0xFFFFFFC0] =	vst v5  }
0x9e: {  	[hbm4b:s3+s18] =	stream.strided.scatter [tilespmem:s24], [sflag:$0x3], $0x400, s19, s18, $0x38;
	[tilespmem:$0x1D700] =	vst v63  }
0x9f: {  	_ =	swait.ge [sflag:s28], $0x400  }
0xa0: {  	[sflag:s28] =	ssyncset.done $0x0  }
0xa1: {  	s23 =	simm.s32 $0x188F0;
	[sflag:s28] =	ssyncadd.s32 $0xFFFFFC00  }
0xa2: {  	v0 =	vld [tilespmem:s23+$0x0]  }
0xa3: {  	v1 =	vld [tilespmem:s23+$0xFFFFFFA0]  }
0xa4: {  	v2 =	vld [tilespmem:s23+$0xFFFFFFB0]  }
0xa5: {  	v3 =	vld [tilespmem:s23+$0xFFFFFFC0]  }
0xa6: {  	v5 =	vld [tilespmem:s23+$0xFFFFFFD0]  }
0xa7: {  	v6 =	vld [tilespmem:s23+$0xFFFFFFE0]  }
0xa8: {  	v7 =	vld [tilespmem:s23+$0xFFFFFFF0]  }
0xa9: {  	v8 =	vld [tilespmem:s23+$0xFFFFFF90]  }
0xaa: {  	v9 =	vld.idx.msk [tilespmem:v0+s4+$0x0], $0xffff  }
0xab: {  	v10 =	vld.idx.msk [tilespmem:v1+s4+$0x0], $0xffff  }
0xac: {  	v4 =	vld.idx.msk [tilespmem:v2+s4+$0x0], $0xffff  }
0xad: {  	v3 =	vld.idx.msk [tilespmem:v3+s4+$0x0], $0xffff  }
0xae: {  	v0 =	vld.idx.msk [tilespmem:v5+s4+$0x0], $0xffff  }
0xaf: {  	s21 =	simm.s32 $0x1D340;
	v1 =	vld.idx.msk [tilespmem:v6+s4+$0x0], $0xffff  }
0xb0: {  	v2 =	vld.idx.msk [tilespmem:v7+s4+$0x0], $0xffff;
	[tilespmem:s21+$0x30] =	vst v9  }
0xb1: {  	s31 =	simm.s32 $0x18CF0;
	s3 =	sadd.s32 s17, s10;
	s23 =	simm.s32 $0x0;
	v5 =	vld.idx.msk [tilespmem:v8+s4+$0x0], $0xffff;
	[tilespmem:s21+$0xFFFFFFD0] =	vst v10  }
.LBB2_9:
0xb2: {  	v6 =	vld [tilespmem:s31+$0x0];
	s23 =	sadd.s32 $0x80, s23;
	[tilespmem:s21+$0xFFFFFFE0] =	vst v4  }
0xb3: {  	v4 =	vld [tilespmem:s31+$0xFFFFFFA0];
	p0 =	slt.u32 s23, $0x380;
	[tilespmem:s21+$0xFFFFFFF0] =	vst v3  }
0xb4: {  	v3 =	vld [tilespmem:s31+$0xFFFFFFB0];
	[tilespmem:s21+$0x0] =	vst v0  }
0xb5: {  	v0 =	vld [tilespmem:s31+$0xFFFFFFC0];
	[tilespmem:s21+$0x10] =	vst v1  }
0xb6: {  	v1 =	vld [tilespmem:s31+$0xFFFFFFD0];
	[tilespmem:s21+$0x20] =	vst v2  }
0xb7: {  	v2 =	vld [tilespmem:s31+$0xFFFFFFE0];
	[tilespmem:s21+$0xFFFFFFC0] =	vst v5  }
0xb8: {  	v5 =	vld [tilespmem:s31+$0xFFFFFFF0]  }
0xb9: {  	v7 =	vld [tilespmem:s31+$0xFFFFFF90]  }
0xba: {  	v6 =	vld.idx.msk [tilespmem:v6+s4+$0x0], $0xffff  }
0xbb: {  	v8 =	vld.idx.msk [tilespmem:v4+s4+$0x0], $0xffff  }
0xbc: {  	v4 =	vld.idx.msk [tilespmem:v3+s4+$0x0], $0xffff  }
.Ltmp3:
0xbd: {  	v3 =	vld.idx.msk [tilespmem:v0+s4+$0x0], $0xffff;
	(pc) =	sbr.rel @p0 .LBB2_9-.Ltmp3, $4  }
0xbe: {  	v0 =	vld.idx.msk [tilespmem:v1+s4+$0x0], $0xffff  }
0xbf: {  	s21 =	sadd.s32 $0x80, s21;
	v1 =	vld.idx.msk [tilespmem:v2+s4+$0x0], $0xffff  }
0xc0: {  	v2 =	vld.idx.msk [tilespmem:v5+s4+$0x0], $0xffff;
	[tilespmem:s21+$0x30] =	vst v6  }
0xc1: {  	s31 =	sadd.s32 $0x400, s31;
	v5 =	vld.idx.msk [tilespmem:v7+s4+$0x0], $0xffff;
	[tilespmem:s21+$0xFFFFFFD0] =	vst v8  }
0xc2: {  	[tilespmem:s21+$0xFFFFFFE0] =	vst v4  }
0xc3: {  	[tilespmem:s21+$0xFFFFFFF0] =	vst v3  }
0xc4: {  	[tilespmem:s21+$0x0] =	vst v0  }
0xc5: {  	[tilespmem:s21+$0x10] =	vst v1  }
0xc6: {  	[tilespmem:s21+$0x20] =	vst v2  }
0xc7: {  	[tilespmem:s21+$0xFFFFFFC0] =	vst v5  }
0xc8: {  	[hbm4b:s3+s18] =	stream.strided.scatter [tilespmem:s25], [sflag:$0x4], $0x400, s19, s18, $0x38;
	[tilespmem:$0x1D700] =	vst v63  }
0xc9: {  	_ =	swait.ge [sflag:s26], $0x400  }
0xca: {  	[sflag:s26] =	ssyncset.done $0x0  }
0xcb: {  	s23 =	simm.s32 $0x18970;
	[sflag:s26] =	ssyncadd.s32 $0xFFFFFC00  }
0xcc: {  	v0 =	vld [tilespmem:s23+$0x0]  }
0xcd: {  	v1 =	vld [tilespmem:s23+$0xFFFFFFA0]  }
0xce: {  	v2 =	vld [tilespmem:s23+$0xFFFFFFB0]  }
0xcf: {  	v3 =	vld [tilespmem:s23+$0xFFFFFFC0]  }
0xd0: {  	v5 =	vld [tilespmem:s23+$0xFFFFFFD0]  }
0xd1: {  	v6 =	vld [tilespmem:s23+$0xFFFFFFE0]  }
0xd2: {  	v7 =	vld [tilespmem:s23+$0xFFFFFFF0]  }
0xd3: {  	v8 =	vld [tilespmem:s23+$0xFFFFFF90]  }
0xd4: {  	v9 =	vld.idx.msk [tilespmem:v0+s4+$0x0], $0xffff  }
0xd5: {  	v10 =	vld.idx.msk [tilespmem:v1+s4+$0x0], $0xffff  }
0xd6: {  	v4 =	vld.idx.msk [tilespmem:v2+s4+$0x0], $0xffff  }
0xd7: {  	v3 =	vld.idx.msk [tilespmem:v3+s4+$0x0], $0xffff  }
0xd8: {  	v0 =	vld.idx.msk [tilespmem:v5+s4+$0x0], $0xffff  }
0xd9: {  	s21 =	simm.s32 $0x1CF40;
	v1 =	vld.idx.msk [tilespmem:v6+s4+$0x0], $0xffff  }
0xda: {  	v2 =	vld.idx.msk [tilespmem:v7+s4+$0x0], $0xffff;
	[tilespmem:s21+$0x30] =	vst v9  }
0xdb: {  	s31 =	simm.s32 $0x18D70;
	s3 =	sadd.s32 s17, s11;
	s23 =	simm.s32 $0x0;
	v5 =	vld.idx.msk [tilespmem:v8+s4+$0x0], $0xffff;
	[tilespmem:s21+$0xFFFFFFD0] =	vst v10  }
.LBB2_11:
0xdc: {  	v6 =	vld [tilespmem:s31+$0x0];
	s23 =	sadd.s32 $0x80, s23;
	[tilespmem:s21+$0xFFFFFFE0] =	vst v4  }
0xdd: {  	v4 =	vld [tilespmem:s31+$0xFFFFFFA0];
	p0 =	slt.u32 s23, $0x380;
	[tilespmem:s21+$0xFFFFFFF0] =	vst v3  }
0xde: {  	v3 =	vld [tilespmem:s31+$0xFFFFFFB0];
	[tilespmem:s21+$0x0] =	vst v0  }
0xdf: {  	v0 =	vld [tilespmem:s31+$0xFFFFFFC0];
	[tilespmem:s21+$0x10] =	vst v1  }
0xe0: {  	v1 =	vld [tilespmem:s31+$0xFFFFFFD0];
	[tilespmem:s21+$0x20] =	vst v2  }
0xe1: {  	v2 =	vld [tilespmem:s31+$0xFFFFFFE0];
	[tilespmem:s21+$0xFFFFFFC0] =	vst v5  }
0xe2: {  	v5 =	vld [tilespmem:s31+$0xFFFFFFF0]  }
0xe3: {  	v7 =	vld [tilespmem:s31+$0xFFFFFF90]  }
0xe4: {  	v6 =	vld.idx.msk [tilespmem:v6+s4+$0x0], $0xffff  }
0xe5: {  	v8 =	vld.idx.msk [tilespmem:v4+s4+$0x0], $0xffff  }
0xe6: {  	v4 =	vld.idx.msk [tilespmem:v3+s4+$0x0], $0xffff  }
.Ltmp4:
0xe7: {  	v3 =	vld.idx.msk [tilespmem:v0+s4+$0x0], $0xffff;
	(pc) =	sbr.rel @p0 .LBB2_11-.Ltmp4, $4  }
0xe8: {  	v0 =	vld.idx.msk [tilespmem:v1+s4+$0x0], $0xffff  }
0xe9: {  	s21 =	sadd.s32 $0x80, s21;
	v1 =	vld.idx.msk [tilespmem:v2+s4+$0x0], $0xffff  }
0xea: {  	v2 =	vld.idx.msk [tilespmem:v5+s4+$0x0], $0xffff;
	[tilespmem:s21+$0x30] =	vst v6  }
0xeb: {  	s31 =	sadd.s32 $0x400, s31;
	v5 =	vld.idx.msk [tilespmem:v7+s4+$0x0], $0xffff;
	[tilespmem:s21+$0xFFFFFFD0] =	vst v8  }
0xec: {  	[tilespmem:s21+$0xFFFFFFE0] =	vst v4  }
0xed: {  	[tilespmem:s21+$0xFFFFFFF0] =	vst v3  }
0xee: {  	[tilespmem:s21+$0x0] =	vst v0  }
0xef: {  	[tilespmem:s21+$0x10] =	vst v1  }
0xf0: {  	[tilespmem:s21+$0x20] =	vst v2  }
0xf1: {  	[tilespmem:s21+$0xFFFFFFC0] =	vst v5  }
0xf2: {  	[hbm4b:s3+s18] =	stream.strided.scatter [tilespmem:s24], [sflag:$0x3], $0x400, s19, s18, $0x38;
	[tilespmem:$0x1D700] =	vst v63  }
0xf3: {  	_ =	swait.ge [sflag:s28], $0x400  }
0xf4: {  	[sflag:s28] =	ssyncset.done $0x0  }
0xf5: {  	s23 =	simm.s32 $0x189F0;
	[sflag:s28] =	ssyncadd.s32 $0xFFFFFC00  }
0xf6: {  	v0 =	vld [tilespmem:s23+$0x0]  }
0xf7: {  	v1 =	vld [tilespmem:s23+$0xFFFFFFA0]  }
0xf8: {  	v2 =	vld [tilespmem:s23+$0xFFFFFFB0]  }
0xf9: {  	v3 =	vld [tilespmem:s23+$0xFFFFFFC0]  }
0xfa: {  	v5 =	vld [tilespmem:s23+$0xFFFFFFD0]  }
0xfb: {  	v6 =	vld [tilespmem:s23+$0xFFFFFFE0]  }
0xfc: {  	v7 =	vld [tilespmem:s23+$0xFFFFFFF0]  }
0xfd: {  	v8 =	vld [tilespmem:s23+$0xFFFFFF90]  }
0xfe: {  	v9 =	vld.idx.msk [tilespmem:v0+s4+$0x0], $0xffff  }
0xff: {  	v10 =	vld.idx.msk [tilespmem:v1+s4+$0x0], $0xffff  }
0x100: {  	v4 =	vld.idx.msk [tilespmem:v2+s4+$0x0], $0xffff  }
0x101: {  	v3 =	vld.idx.msk [tilespmem:v3+s4+$0x0], $0xffff  }
0x102: {  	v0 =	vld.idx.msk [tilespmem:v5+s4+$0x0], $0xffff  }
0x103: {  	s21 =	simm.s32 $0x1D340;
	v1 =	vld.idx.msk [tilespmem:v6+s4+$0x0], $0xffff  }
0x104: {  	v2 =	vld.idx.msk [tilespmem:v7+s4+$0x0], $0xffff;
	[tilespmem:s21+$0x30] =	vst v9  }
0x105: {  	s31 =	simm.s32 $0x18DF0;
	s3 =	sadd.s32 s17, s12;
	s23 =	simm.s32 $0x0;
	v5 =	vld.idx.msk [tilespmem:v8+s4+$0x0], $0xffff;
	[tilespmem:s21+$0xFFFFFFD0] =	vst v10  }
.LBB2_13:
0x106: {  	v6 =	vld [tilespmem:s31+$0x0];
	s23 =	sadd.s32 $0x80, s23;
	[tilespmem:s21+$0xFFFFFFE0] =	vst v4  }
0x107: {  	v4 =	vld [tilespmem:s31+$0xFFFFFFA0];
	p0 =	slt.u32 s23, $0x380;
	[tilespmem:s21+$0xFFFFFFF0] =	vst v3  }
0x108: {  	v3 =	vld [tilespmem:s31+$0xFFFFFFB0];
	[tilespmem:s21+$0x0] =	vst v0  }
0x109: {  	v0 =	vld [tilespmem:s31+$0xFFFFFFC0];
	[tilespmem:s21+$0x10] =	vst v1  }
0x10a: {  	v1 =	vld [tilespmem:s31+$0xFFFFFFD0];
	[tilespmem:s21+$0x20] =	vst v2  }
0x10b: {  	v2 =	vld [tilespmem:s31+$0xFFFFFFE0];
	[tilespmem:s21+$0xFFFFFFC0] =	vst v5  }
0x10c: {  	v5 =	vld [tilespmem:s31+$0xFFFFFFF0]  }
0x10d: {  	v7 =	vld [tilespmem:s31+$0xFFFFFF90]  }
0x10e: {  	v6 =	vld.idx.msk [tilespmem:v6+s4+$0x0], $0xffff  }
0x10f: {  	v8 =	vld.idx.msk [tilespmem:v4+s4+$0x0], $0xffff  }
0x110: {  	v4 =	vld.idx.msk [tilespmem:v3+s4+$0x0], $0xffff  }
.Ltmp5:
0x111: {  	v3 =	vld.idx.msk [tilespmem:v0+s4+$0x0], $0xffff;
	(pc) =	sbr.rel @p0 .LBB2_13-.Ltmp5, $4  }
0x112: {  	v0 =	vld.idx.msk [tilespmem:v1+s4+$0x0], $0xffff  }
0x113: {  	s21 =	sadd.s32 $0x80, s21;
	v1 =	vld.idx.msk [tilespmem:v2+s4+$0x0], $0xffff  }
0x114: {  	v2 =	vld.idx.msk [tilespmem:v5+s4+$0x0], $0xffff;
	[tilespmem:s21+$0x30] =	vst v6  }
0x115: {  	s31 =	sadd.s32 $0x400, s31;
	v5 =	vld.idx.msk [tilespmem:v7+s4+$0x0], $0xffff;
	[tilespmem:s21+$0xFFFFFFD0] =	vst v8  }
0x116: {  	[tilespmem:s21+$0xFFFFFFE0] =	vst v4  }
0x117: {  	[tilespmem:s21+$0xFFFFFFF0] =	vst v3  }
0x118: {  	[tilespmem:s21+$0x0] =	vst v0  }
0x119: {  	[tilespmem:s21+$0x10] =	vst v1  }
0x11a: {  	[tilespmem:s21+$0x20] =	vst v2  }
0x11b: {  	[tilespmem:s21+$0xFFFFFFC0] =	vst v5  }
0x11c: {  	[hbm4b:s3+s18] =	stream.strided.scatter [tilespmem:s25], [sflag:$0x4], $0x400, s19, s18, $0x38;
	[tilespmem:$0x1D700] =	vst v63  }
0x11d: {  	_ =	swait.ge [sflag:s26], $0x400  }
0x11e: {  	[sflag:s26] =	ssyncset.done $0x0  }
0x11f: {  	s23 =	simm.s32 $0x18A70;
	[sflag:s26] =	ssyncadd.s32 $0xFFFFFC00  }
0x120: {  	v0 =	vld [tilespmem:s23+$0x0]  }
0x121: {  	v1 =	vld [tilespmem:s23+$0xFFFFFFA0]  }
0x122: {  	v2 =	vld [tilespmem:s23+$0xFFFFFFB0]  }
0x123: {  	v3 =	vld [tilespmem:s23+$0xFFFFFFC0]  }
0x124: {  	v5 =	vld [tilespmem:s23+$0xFFFFFFD0]  }
0x125: {  	v6 =	vld [tilespmem:s23+$0xFFFFFFE0]  }
0x126: {  	v7 =	vld [tilespmem:s23+$0xFFFFFFF0]  }
0x127: {  	v8 =	vld [tilespmem:s23+$0xFFFFFF90]  }
0x128: {  	v9 =	vld.idx.msk [tilespmem:v0+s4+$0x0], $0xffff  }
0x129: {  	v10 =	vld.idx.msk [tilespmem:v1+s4+$0x0], $0xffff  }
0x12a: {  	v4 =	vld.idx.msk [tilespmem:v2+s4+$0x0], $0xffff  }
0x12b: {  	v3 =	vld.idx.msk [tilespmem:v3+s4+$0x0], $0xffff  }
0x12c: {  	v0 =	vld.idx.msk [tilespmem:v5+s4+$0x0], $0xffff  }
0x12d: {  	s21 =	simm.s32 $0x1CF40;
	v1 =	vld.idx.msk [tilespmem:v6+s4+$0x0], $0xffff  }
0x12e: {  	v2 =	vld.idx.msk [tilespmem:v7+s4+$0x0], $0xffff;
	[tilespmem:s21+$0x30] =	vst v9  }
0x12f: {  	s31 =	simm.s32 $0x18E70;
	s3 =	sadd.s32 s17, s13;
	s23 =	simm.s32 $0x0;
	v5 =	vld.idx.msk [tilespmem:v8+s4+$0x0], $0xffff;
	[tilespmem:s21+$0xFFFFFFD0] =	vst v10  }
.LBB2_15:
0x130: {  	v6 =	vld [tilespmem:s31+$0x0];
	s23 =	sadd.s32 $0x80, s23;
	[tilespmem:s21+$0xFFFFFFE0] =	vst v4  }
0x131: {  	v4 =	vld [tilespmem:s31+$0xFFFFFFA0];
	p0 =	slt.u32 s23, $0x380;
	[tilespmem:s21+$0xFFFFFFF0] =	vst v3  }
0x132: {  	v3 =	vld [tilespmem:s31+$0xFFFFFFB0];
	[tilespmem:s21+$0x0] =	vst v0  }
0x133: {  	v0 =	vld [tilespmem:s31+$0xFFFFFFC0];
	[tilespmem:s21+$0x10] =	vst v1  }
0x134: {  	v1 =	vld [tilespmem:s31+$0xFFFFFFD0];
	[tilespmem:s21+$0x20] =	vst v2  }
0x135: {  	v2 =	vld [tilespmem:s31+$0xFFFFFFE0];
	[tilespmem:s21+$0xFFFFFFC0] =	vst v5  }
0x136: {  	v5 =	vld [tilespmem:s31+$0xFFFFFFF0]  }
0x137: {  	v7 =	vld [tilespmem:s31+$0xFFFFFF90]  }
0x138: {  	v6 =	vld.idx.msk [tilespmem:v6+s4+$0x0], $0xffff  }
0x139: {  	v8 =	vld.idx.msk [tilespmem:v4+s4+$0x0], $0xffff  }
0x13a: {  	v4 =	vld.idx.msk [tilespmem:v3+s4+$0x0], $0xffff  }
.Ltmp6:
0x13b: {  	v3 =	vld.idx.msk [tilespmem:v0+s4+$0x0], $0xffff;
	(pc) =	sbr.rel @p0 .LBB2_15-.Ltmp6, $4  }
0x13c: {  	v0 =	vld.idx.msk [tilespmem:v1+s4+$0x0], $0xffff  }
0x13d: {  	s21 =	sadd.s32 $0x80, s21;
	v1 =	vld.idx.msk [tilespmem:v2+s4+$0x0], $0xffff  }
0x13e: {  	v2 =	vld.idx.msk [tilespmem:v5+s4+$0x0], $0xffff;
	[tilespmem:s21+$0x30] =	vst v6  }
0x13f: {  	s31 =	sadd.s32 $0x400, s31;
	v5 =	vld.idx.msk [tilespmem:v7+s4+$0x0], $0xffff;
	[tilespmem:s21+$0xFFFFFFD0] =	vst v8  }
0x140: {  	[tilespmem:s21+$0xFFFFFFE0] =	vst v4  }
0x141: {  	[tilespmem:s21+$0xFFFFFFF0] =	vst v3  }
0x142: {  	[tilespmem:s21+$0x0] =	vst v0  }
0x143: {  	[tilespmem:s21+$0x10] =	vst v1  }
0x144: {  	[tilespmem:s21+$0x20] =	vst v2  }
0x145: {  	[tilespmem:s21+$0xFFFFFFC0] =	vst v5  }
0x146: {  	[hbm4b:s3+s18] =	stream.strided.scatter [tilespmem:s24], [sflag:$0x3], $0x400, s19, s18, $0x38;
	[tilespmem:$0x1D700] =	vst v63  }
0x147: {  	_ =	swait.ge [sflag:s28], $0x400  }
0x148: {  	[sflag:s28] =	ssyncset.done $0x0  }
0x149: {  	s31 =	simm.s32 $0x18AF0;
	[sflag:s28] =	ssyncadd.s32 $0xFFFFFC00  }
0x14a: {  	v0 =	vld [tilespmem:s31+$0x0]  }
0x14b: {  	v1 =	vld [tilespmem:s31+$0xFFFFFFA0]  }
0x14c: {  	v2 =	vld [tilespmem:s31+$0xFFFFFFB0]  }
0x14d: {  	v3 =	vld [tilespmem:s31+$0xFFFFFFC0]  }
0x14e: {  	v5 =	vld [tilespmem:s31+$0xFFFFFFD0]  }
0x14f: {  	v6 =	vld [tilespmem:s31+$0xFFFFFFE0]  }
0x150: {  	v7 =	vld [tilespmem:s31+$0xFFFFFFF0]  }
0x151: {  	v8 =	vld [tilespmem:s31+$0xFFFFFF90]  }
0x152: {  	v9 =	vld.idx.msk [tilespmem:v0+s4+$0x0], $0xffff  }
0x153: {  	v10 =	vld.idx.msk [tilespmem:v1+s4+$0x0], $0xffff  }
0x154: {  	v4 =	vld.idx.msk [tilespmem:v2+s4+$0x0], $0xffff  }
0x155: {  	v3 =	vld.idx.msk [tilespmem:v3+s4+$0x0], $0xffff  }
0x156: {  	v0 =	vld.idx.msk [tilespmem:v5+s4+$0x0], $0xffff  }
0x157: {  	s21 =	simm.s32 $0x1D340;
	v1 =	vld.idx.msk [tilespmem:v6+s4+$0x0], $0xffff  }
0x158: {  	v2 =	vld.idx.msk [tilespmem:v7+s4+$0x0], $0xffff;
	[tilespmem:s21+$0x30] =	vst v9  }
0x159: {  	s23 =	simm.s32 $0x18EF0;
	s3 =	sadd.s32 s17, s14;
	s17 =	simm.s32 $0x0;
	v5 =	vld.idx.msk [tilespmem:v8+s4+$0x0], $0xffff;
	[tilespmem:s21+$0xFFFFFFD0] =	vst v10  }
.LBB2_17:
0x15a: {  	v6 =	vld [tilespmem:s23+$0x0];
	s17 =	sadd.s32 $0x80, s17;
	[tilespmem:s21+$0xFFFFFFE0] =	vst v4  }
0x15b: {  	v4 =	vld [tilespmem:s23+$0xFFFFFFA0];
	p0 =	slt.u32 s17, $0x380;
	[tilespmem:s21+$0xFFFFFFF0] =	vst v3  }
0x15c: {  	v3 =	vld [tilespmem:s23+$0xFFFFFFB0];
	[tilespmem:s21+$0x0] =	vst v0  }
0x15d: {  	v0 =	vld [tilespmem:s23+$0xFFFFFFC0];
	[tilespmem:s21+$0x10] =	vst v1  }
0x15e: {  	v1 =	vld [tilespmem:s23+$0xFFFFFFD0];
	[tilespmem:s21+$0x20] =	vst v2  }
0x15f: {  	v2 =	vld [tilespmem:s23+$0xFFFFFFE0];
	[tilespmem:s21+$0xFFFFFFC0] =	vst v5  }
0x160: {  	v5 =	vld [tilespmem:s23+$0xFFFFFFF0]  }
0x161: {  	v7 =	vld [tilespmem:s23+$0xFFFFFF90]  }
0x162: {  	v6 =	vld.idx.msk [tilespmem:v6+s4+$0x0], $0xffff  }
0x163: {  	v8 =	vld.idx.msk [tilespmem:v4+s4+$0x0], $0xffff  }
0x164: {  	v4 =	vld.idx.msk [tilespmem:v3+s4+$0x0], $0xffff  }
.Ltmp7:
0x165: {  	v3 =	vld.idx.msk [tilespmem:v0+s4+$0x0], $0xffff;
	(pc) =	sbr.rel @p0 .LBB2_17-.Ltmp7, $4  }
0x166: {  	v0 =	vld.idx.msk [tilespmem:v1+s4+$0x0], $0xffff  }
0x167: {  	s21 =	sadd.s32 $0x80, s21;
	v1 =	vld.idx.msk [tilespmem:v2+s4+$0x0], $0xffff  }
0x168: {  	v2 =	vld.idx.msk [tilespmem:v5+s4+$0x0], $0xffff;
	[tilespmem:s21+$0x30] =	vst v6  }
0x169: {  	s23 =	sadd.s32 $0x400, s23;
	v5 =	vld.idx.msk [tilespmem:v7+s4+$0x0], $0xffff;
	[tilespmem:s21+$0xFFFFFFD0] =	vst v8  }
0x16a: {  	[tilespmem:s21+$0xFFFFFFE0] =	vst v4  }
0x16b: {  	[tilespmem:s21+$0xFFFFFFF0] =	vst v3  }
0x16c: {  	[tilespmem:s21+$0x0] =	vst v0  }
0x16d: {  	[tilespmem:s21+$0x10] =	vst v1  }
0x16e: {  	[tilespmem:s21+$0x20] =	vst v2  }
0x16f: {  	[tilespmem:s21+$0xFFFFFFC0] =	vst v5  }
0x170: {  	[hbm4b:s3+s18] =	stream.strided.scatter [tilespmem:s25], [sflag:$0x4], $0x400, s19, s18, $0x38;
	[tilespmem:$0x1D700] =	vst v63  }
0x171: {  	p0 =	seq.s32 s0, $0x2F;
	_ =	swait.ge [sflag:s29], $0x2000  }
0x172: {  	s17 =	simm.s32 @!p0 $0x0;
	[sflag:s29] =	ssyncset.done $0x0  }
0x173: {  	s21 =	simm.s32 @!p0 $0x18700;
	s3 =	sadd.s32 @!p0 s30, s15;
	[sflag:s29] =	ssyncadd.s32 $0xFFFFE000  }
0x174: {  	[tilespmem:s21], [sflag:$0x1] =	stream.linear.gather @!p0 [hbm4b:s3+s17], $0x2000, $0x38;
	[tilespmem:$0x1D700] =	vst v63  }
0x175: {  	_ =	swait.ge [sflag:s26], $0x400  }
0x176: {  	[sflag:s26] =	ssyncset.done $0x0  }
0x177: {  	s30 =	simm.s32 $0x1A740;
	[sflag:s26] =	ssyncadd.s32 $0xFFFFFC00  }
0x178: {  	v0 =	vld [tilespmem:s30+$0x30]  }
0x179: {  	v1 =	vld [tilespmem:s30+$0xFFFFFFD0]  }
0x17a: {  	v2 =	vld [tilespmem:s30+$0xFFFFFFE0]  }
0x17b: {  	v4 =	vld [tilespmem:s30+$0xFFFFFFF0]  }
0x17c: {  	v5 =	vld [tilespmem:s30+$0x0]  }
0x17d: {  	v6 =	vld [tilespmem:s30+$0x10]  }
0x17e: {  	v7 =	vld [tilespmem:s30+$0x20]  }
0x17f: {  	v8 =	vld [tilespmem:s30+$0xFFFFFFC0]  }
0x180: {  	v9 =	vld.idx.msk [tilespmem:v0+s4+$0x0], $0xffff  }
0x181: {  	v10 =	vld.idx.msk [tilespmem:v1+s4+$0x0], $0xffff  }
0x182: {  	v3 =	vld.idx.msk [tilespmem:v2+s4+$0x0], $0xffff  }
0x183: {  	v0 =	vld.idx.msk [tilespmem:v4+s4+$0x0], $0xffff  }
0x184: {  	s31 =	sor.u32 s5, s20;
	v1 =	vld.idx.msk [tilespmem:v5+s4+$0x0], $0xffff  }
0x185: {  	s3 =	sor.u32 s6, s31;
	s17 =	simm.s32 $0x1CF40;
	v2 =	vld.idx.msk [tilespmem:v6+s4+$0x0], $0xffff  }
0x186: {  	s6 =	sshrl.u32 s3, $0x3;
	v4 =	vld.idx.msk [tilespmem:v7+s4+$0x0], $0xffff;
	[tilespmem:s17+$0x30] =	vst v9  }
0x187: {  	s20 =	simm.s32 $0x0;
	s21 =	simm.s32 $0x1AB40;
	s3 =	sadd.s32 s2, s6;
	v5 =	vld.idx.msk [tilespmem:v8+s4+$0x0], $0xffff;
	[tilespmem:s17+$0xFFFFFFD0] =	vst v10  }
.LBB2_19:
0x188: {  	v6 =	vld [tilespmem:s21+$0x30];
	s20 =	sadd.s32 $0x80, s20;
	[tilespmem:s17+$0xFFFFFFE0] =	vst v3  }
0x189: {  	v3 =	vld [tilespmem:s21+$0xFFFFFFD0];
	p0 =	slt.u32 s20, $0x380;
	[tilespmem:s17+$0xFFFFFFF0] =	vst v0  }
0x18a: {  	v0 =	vld [tilespmem:s21+$0xFFFFFFE0];
	[tilespmem:s17+$0x0] =	vst v1  }
0x18b: {  	v1 =	vld [tilespmem:s21+$0xFFFFFFF0];
	[tilespmem:s17+$0x10] =	vst v2  }
0x18c: {  	v2 =	vld [tilespmem:s21+$0x0];
	[tilespmem:s17+$0x20] =	vst v4  }
0x18d: {  	v4 =	vld [tilespmem:s21+$0x10];
	[tilespmem:s17+$0xFFFFFFC0] =	vst v5  }
0x18e: {  	v5 =	vld [tilespmem:s21+$0x20]  }
0x18f: {  	v7 =	vld [tilespmem:s21+$0xFFFFFFC0]  }
0x190: {  	v6 =	vld.idx.msk [tilespmem:v6+s4+$0x0], $0xffff  }
0x191: {  	v8 =	vld.idx.msk [tilespmem:v3+s4+$0x0], $0xffff  }
0x192: {  	v3 =	vld.idx.msk [tilespmem:v0+s4+$0x0], $0xffff  }
.Ltmp8:
0x193: {  	v0 =	vld.idx.msk [tilespmem:v1+s4+$0x0], $0xffff;
	(pc) =	sbr.rel @p0 .LBB2_19-.Ltmp8, $4  }
0x194: {  	v1 =	vld.idx.msk [tilespmem:v2+s4+$0x0], $0xffff  }
0x195: {  	s17 =	sadd.s32 $0x80, s17;
	v2 =	vld.idx.msk [tilespmem:v4+s4+$0x0], $0xffff  }
0x196: {  	v4 =	vld.idx.msk [tilespmem:v5+s4+$0x0], $0xffff;
	[tilespmem:s17+$0x30] =	vst v6  }
0x197: {  	s21 =	sadd.s32 $0x400, s21;
	v5 =	vld.idx.msk [tilespmem:v7+s4+$0x0], $0xffff;
	[tilespmem:s17+$0xFFFFFFD0] =	vst v8  }
0x198: {  	[tilespmem:s17+$0xFFFFFFE0] =	vst v3  }
0x199: {  	[tilespmem:s17+$0xFFFFFFF0] =	vst v0  }
0x19a: {  	[tilespmem:s17+$0x0] =	vst v1  }
0x19b: {  	[tilespmem:s17+$0x10] =	vst v2  }
0x19c: {  	[tilespmem:s17+$0x20] =	vst v4  }
0x19d: {  	[tilespmem:s17+$0xFFFFFFC0] =	vst v5  }
0x19e: {  	[hbm4b:s3+s18] =	stream.strided.scatter [tilespmem:s24], [sflag:$0x3], $0x400, s19, s18, $0x38;
	[tilespmem:$0x1D700] =	vst v63  }
0x19f: {  	_ =	swait.ge [sflag:s28], $0x400  }
0x1a0: {  	[sflag:s28] =	ssyncset.done $0x0  }
0x1a1: {  	s31 =	simm.s32 $0x1A7F0;
	[sflag:s28] =	ssyncadd.s32 $0xFFFFFC00  }
0x1a2: {  	v0 =	vld [tilespmem:s31+$0x0]  }
0x1a3: {  	v1 =	vld [tilespmem:s31+$0xFFFFFFA0]  }
0x1a4: {  	v2 =	vld [tilespmem:s31+$0xFFFFFFB0]  }
0x1a5: {  	v3 =	vld [tilespmem:s31+$0xFFFFFFC0]  }
0x1a6: {  	v5 =	vld [tilespmem:s31+$0xFFFFFFD0]  }
0x1a7: {  	v6 =	vld [tilespmem:s31+$0xFFFFFFE0]  }
0x1a8: {  	v7 =	vld [tilespmem:s31+$0xFFFFFFF0]  }
0x1a9: {  	v8 =	vld [tilespmem:s31+$0xFFFFFF90]  }
0x1aa: {  	v9 =	vld.idx.msk [tilespmem:v0+s4+$0x0], $0xffff  }
0x1ab: {  	v10 =	vld.idx.msk [tilespmem:v1+s4+$0x0], $0xffff  }
0x1ac: {  	v4 =	vld.idx.msk [tilespmem:v2+s4+$0x0], $0xffff  }
0x1ad: {  	v3 =	vld.idx.msk [tilespmem:v3+s4+$0x0], $0xffff  }
0x1ae: {  	v0 =	vld.idx.msk [tilespmem:v5+s4+$0x0], $0xffff  }
0x1af: {  	s17 =	simm.s32 $0x1D340;
	v1 =	vld.idx.msk [tilespmem:v6+s4+$0x0], $0xffff  }
0x1b0: {  	v2 =	vld.idx.msk [tilespmem:v7+s4+$0x0], $0xffff;
	[tilespmem:s17+$0x30] =	vst v9  }
0x1b1: {  	s20 =	simm.s32 $0x0;
	s21 =	simm.s32 $0x1ABF0;
	s3 =	sadd.s32 s6, s8;
	v5 =	vld.idx.msk [tilespmem:v8+s4+$0x0], $0xffff;
	[tilespmem:s17+$0xFFFFFFD0] =	vst v10  }
.LBB2_21:
0x1b2: {  	v6 =	vld [tilespmem:s21+$0x0];
	s20 =	sadd.s32 $0x80, s20;
	[tilespmem:s17+$0xFFFFFFE0] =	vst v4  }
0x1b3: {  	v4 =	vld [tilespmem:s21+$0xFFFFFFA0];
	p0 =	slt.u32 s20, $0x380;
	[tilespmem:s17+$0xFFFFFFF0] =	vst v3  }
0x1b4: {  	v3 =	vld [tilespmem:s21+$0xFFFFFFB0];
	[tilespmem:s17+$0x0] =	vst v0  }
0x1b5: {  	v0 =	vld [tilespmem:s21+$0xFFFFFFC0];
	[tilespmem:s17+$0x10] =	vst v1  }
0x1b6: {  	v1 =	vld [tilespmem:s21+$0xFFFFFFD0];
	[tilespmem:s17+$0x20] =	vst v2  }
0x1b7: {  	v2 =	vld [tilespmem:s21+$0xFFFFFFE0];
	[tilespmem:s17+$0xFFFFFFC0] =	vst v5  }
0x1b8: {  	v5 =	vld [tilespmem:s21+$0xFFFFFFF0]  }
0x1b9: {  	v7 =	vld [tilespmem:s21+$0xFFFFFF90]  }
0x1ba: {  	v6 =	vld.idx.msk [tilespmem:v6+s4+$0x0], $0xffff  }
0x1bb: {  	v8 =	vld.idx.msk [tilespmem:v4+s4+$0x0], $0xffff  }
0x1bc: {  	v4 =	vld.idx.msk [tilespmem:v3+s4+$0x0], $0xffff  }
.Ltmp9:
0x1bd: {  	v3 =	vld.idx.msk [tilespmem:v0+s4+$0x0], $0xffff;
	(pc) =	sbr.rel @p0 .LBB2_21-.Ltmp9, $4  }
0x1be: {  	v0 =	vld.idx.msk [tilespmem:v1+s4+$0x0], $0xffff  }
0x1bf: {  	s17 =	sadd.s32 $0x80, s17;
	v1 =	vld.idx.msk [tilespmem:v2+s4+$0x0], $0xffff  }
0x1c0: {  	v2 =	vld.idx.msk [tilespmem:v5+s4+$0x0], $0xffff;
	[tilespmem:s17+$0x30] =	vst v6  }
0x1c1: {  	s21 =	sadd.s32 $0x400, s21;
	v5 =	vld.idx.msk [tilespmem:v7+s4+$0x0], $0xffff;
	[tilespmem:s17+$0xFFFFFFD0] =	vst v8  }
0x1c2: {  	[tilespmem:s17+$0xFFFFFFE0] =	vst v4  }
0x1c3: {  	[tilespmem:s17+$0xFFFFFFF0] =	vst v3  }
0x1c4: {  	[tilespmem:s17+$0x0] =	vst v0  }
0x1c5: {  	[tilespmem:s17+$0x10] =	vst v1  }
0x1c6: {  	[tilespmem:s17+$0x20] =	vst v2  }
0x1c7: {  	[tilespmem:s17+$0xFFFFFFC0] =	vst v5  }
0x1c8: {  	[hbm4b:s3+s18] =	stream.strided.scatter [tilespmem:s25], [sflag:$0x4], $0x400, s19, s18, $0x38;
	[tilespmem:$0x1D700] =	vst v63  }
0x1c9: {  	_ =	swait.ge [sflag:s26], $0x400  }
0x1ca: {  	[sflag:s26] =	ssyncset.done $0x0  }
0x1cb: {  	s31 =	simm.s32 $0x1A870;
	[sflag:s26] =	ssyncadd.s32 $0xFFFFFC00  }
0x1cc: {  	v0 =	vld [tilespmem:s31+$0x0]  }
0x1cd: {  	v1 =	vld [tilespmem:s31+$0xFFFFFFA0]  }
0x1ce: {  	v2 =	vld [tilespmem:s31+$0xFFFFFFB0]  }
0x1cf: {  	v3 =	vld [tilespmem:s31+$0xFFFFFFC0]  }
0x1d0: {  	v5 =	vld [tilespmem:s31+$0xFFFFFFD0]  }
0x1d1: {  	v6 =	vld [tilespmem:s31+$0xFFFFFFE0]  }
0x1d2: {  	v7 =	vld [tilespmem:s31+$0xFFFFFFF0]  }
0x1d3: {  	v8 =	vld [tilespmem:s31+$0xFFFFFF90]  }
0x1d4: {  	v9 =	vld.idx.msk [tilespmem:v0+s4+$0x0], $0xffff  }
0x1d5: {  	v10 =	vld.idx.msk [tilespmem:v1+s4+$0x0], $0xffff  }
0x1d6: {  	v4 =	vld.idx.msk [tilespmem:v2+s4+$0x0], $0xffff  }
0x1d7: {  	v3 =	vld.idx.msk [tilespmem:v3+s4+$0x0], $0xffff  }
0x1d8: {  	v0 =	vld.idx.msk [tilespmem:v5+s4+$0x0], $0xffff  }
0x1d9: {  	s17 =	simm.s32 $0x1CF40;
	v1 =	vld.idx.msk [tilespmem:v6+s4+$0x0], $0xffff  }
0x1da: {  	v2 =	vld.idx.msk [tilespmem:v7+s4+$0x0], $0xffff;
	[tilespmem:s17+$0x30] =	vst v9  }
0x1db: {  	s20 =	simm.s32 $0x0;
	s21 =	simm.s32 $0x1AC70;
	s3 =	sadd.s32 s6, s9;
	v5 =	vld.idx.msk [tilespmem:v8+s4+$0x0], $0xffff;
	[tilespmem:s17+$0xFFFFFFD0] =	vst v10  }
.LBB2_23:
0x1dc: {  	v6 =	vld [tilespmem:s21+$0x0];
	s20 =	sadd.s32 $0x80, s20;
	[tilespmem:s17+$0xFFFFFFE0] =	vst v4  }
0x1dd: {  	v4 =	vld [tilespmem:s21+$0xFFFFFFA0];
	p0 =	slt.u32 s20, $0x380;
	[tilespmem:s17+$0xFFFFFFF0] =	vst v3  }
0x1de: {  	v3 =	vld [tilespmem:s21+$0xFFFFFFB0];
	[tilespmem:s17+$0x0] =	vst v0  }
0x1df: {  	v0 =	vld [tilespmem:s21+$0xFFFFFFC0];
	[tilespmem:s17+$0x10] =	vst v1  }
0x1e0: {  	v1 =	vld [tilespmem:s21+$0xFFFFFFD0];
	[tilespmem:s17+$0x20] =	vst v2  }
0x1e1: {  	v2 =	vld [tilespmem:s21+$0xFFFFFFE0];
	[tilespmem:s17+$0xFFFFFFC0] =	vst v5  }
0x1e2: {  	v5 =	vld [tilespmem:s21+$0xFFFFFFF0]  }
0x1e3: {  	v7 =	vld [tilespmem:s21+$0xFFFFFF90]  }
0x1e4: {  	v6 =	vld.idx.msk [tilespmem:v6+s4+$0x0], $0xffff  }
0x1e5: {  	v8 =	vld.idx.msk [tilespmem:v4+s4+$0x0], $0xffff  }
0x1e6: {  	v4 =	vld.idx.msk [tilespmem:v3+s4+$0x0], $0xffff  }
.Ltmp10:
0x1e7: {  	v3 =	vld.idx.msk [tilespmem:v0+s4+$0x0], $0xffff;
	(pc) =	sbr.rel @p0 .LBB2_23-.Ltmp10, $4  }
0x1e8: {  	v0 =	vld.idx.msk [tilespmem:v1+s4+$0x0], $0xffff  }
0x1e9: {  	s17 =	sadd.s32 $0x80, s17;
	v1 =	vld.idx.msk [tilespmem:v2+s4+$0x0], $0xffff  }
0x1ea: {  	v2 =	vld.idx.msk [tilespmem:v5+s4+$0x0], $0xffff;
	[tilespmem:s17+$0x30] =	vst v6  }
0x1eb: {  	s21 =	sadd.s32 $0x400, s21;
	v5 =	vld.idx.msk [tilespmem:v7+s4+$0x0], $0xffff;
	[tilespmem:s17+$0xFFFFFFD0] =	vst v8  }
0x1ec: {  	[tilespmem:s17+$0xFFFFFFE0] =	vst v4  }
0x1ed: {  	[tilespmem:s17+$0xFFFFFFF0] =	vst v3  }
0x1ee: {  	[tilespmem:s17+$0x0] =	vst v0  }
0x1ef: {  	[tilespmem:s17+$0x10] =	vst v1  }
0x1f0: {  	[tilespmem:s17+$0x20] =	vst v2  }
0x1f1: {  	[tilespmem:s17+$0xFFFFFFC0] =	vst v5  }
0x1f2: {  	[hbm4b:s3+s18] =	stream.strided.scatter [tilespmem:s24], [sflag:$0x3], $0x400, s19, s18, $0x38;
	[tilespmem:$0x1D700] =	vst v63  }
0x1f3: {  	_ =	swait.ge [sflag:s28], $0x400  }
0x1f4: {  	[sflag:s28] =	ssyncset.done $0x0  }
0x1f5: {  	s31 =	simm.s32 $0x1A8F0;
	[sflag:s28] =	ssyncadd.s32 $0xFFFFFC00  }
0x1f6: {  	v0 =	vld [tilespmem:s31+$0x0]  }
0x1f7: {  	v1 =	vld [tilespmem:s31+$0xFFFFFFA0]  }
0x1f8: {  	v2 =	vld [tilespmem:s31+$0xFFFFFFB0]  }
0x1f9: {  	v3 =	vld [tilespmem:s31+$0xFFFFFFC0]  }
0x1fa: {  	v5 =	vld [tilespmem:s31+$0xFFFFFFD0]  }
0x1fb: {  	v6 =	vld [tilespmem:s31+$0xFFFFFFE0]  }
0x1fc: {  	v7 =	vld [tilespmem:s31+$0xFFFFFFF0]  }
0x1fd: {  	v8 =	vld [tilespmem:s31+$0xFFFFFF90]  }
0x1fe: {  	v9 =	vld.idx.msk [tilespmem:v0+s4+$0x0], $0xffff  }
0x1ff: {  	v10 =	vld.idx.msk [tilespmem:v1+s4+$0x0], $0xffff  }
0x200: {  	v4 =	vld.idx.msk [tilespmem:v2+s4+$0x0], $0xffff  }
0x201: {  	v3 =	vld.idx.msk [tilespmem:v3+s4+$0x0], $0xffff  }
0x202: {  	v0 =	vld.idx.msk [tilespmem:v5+s4+$0x0], $0xffff  }
0x203: {  	s17 =	simm.s32 $0x1D340;
	v1 =	vld.idx.msk [tilespmem:v6+s4+$0x0], $0xffff  }
0x204: {  	v2 =	vld.idx.msk [tilespmem:v7+s4+$0x0], $0xffff;
	[tilespmem:s17+$0x30] =	vst v9  }
0x205: {  	s20 =	simm.s32 $0x0;
	s21 =	simm.s32 $0x1ACF0;
	s3 =	sadd.s32 s6, s10;
	v5 =	vld.idx.msk [tilespmem:v8+s4+$0x0], $0xffff;
	[tilespmem:s17+$0xFFFFFFD0] =	vst v10  }
.LBB2_25:
0x206: {  	v6 =	vld [tilespmem:s21+$0x0];
	s20 =	sadd.s32 $0x80, s20;
	[tilespmem:s17+$0xFFFFFFE0] =	vst v4  }
0x207: {  	v4 =	vld [tilespmem:s21+$0xFFFFFFA0];
	p0 =	slt.u32 s20, $0x380;
	[tilespmem:s17+$0xFFFFFFF0] =	vst v3  }
0x208: {  	v3 =	vld [tilespmem:s21+$0xFFFFFFB0];
	[tilespmem:s17+$0x0] =	vst v0  }
0x209: {  	v0 =	vld [tilespmem:s21+$0xFFFFFFC0];
	[tilespmem:s17+$0x10] =	vst v1  }
0x20a: {  	v1 =	vld [tilespmem:s21+$0xFFFFFFD0];
	[tilespmem:s17+$0x20] =	vst v2  }
0x20b: {  	v2 =	vld [tilespmem:s21+$0xFFFFFFE0];
	[tilespmem:s17+$0xFFFFFFC0] =	vst v5  }
0x20c: {  	v5 =	vld [tilespmem:s21+$0xFFFFFFF0]  }
0x20d: {  	v7 =	vld [tilespmem:s21+$0xFFFFFF90]  }
0x20e: {  	v6 =	vld.idx.msk [tilespmem:v6+s4+$0x0], $0xffff  }
0x20f: {  	v8 =	vld.idx.msk [tilespmem:v4+s4+$0x0], $0xffff  }
0x210: {  	v4 =	vld.idx.msk [tilespmem:v3+s4+$0x0], $0xffff  }
.Ltmp11:
0x211: {  	v3 =	vld.idx.msk [tilespmem:v0+s4+$0x0], $0xffff;
	(pc) =	sbr.rel @p0 .LBB2_25-.Ltmp11, $4  }
0x212: {  	v0 =	vld.idx.msk [tilespmem:v1+s4+$0x0], $0xffff  }
0x213: {  	s17 =	sadd.s32 $0x80, s17;
	v1 =	vld.idx.msk [tilespmem:v2+s4+$0x0], $0xffff  }
0x214: {  	v2 =	vld.idx.msk [tilespmem:v5+s4+$0x0], $0xffff;
	[tilespmem:s17+$0x30] =	vst v6  }
0x215: {  	s21 =	sadd.s32 $0x400, s21;
	v5 =	vld.idx.msk [tilespmem:v7+s4+$0x0], $0xffff;
	[tilespmem:s17+$0xFFFFFFD0] =	vst v8  }
0x216: {  	[tilespmem:s17+$0xFFFFFFE0] =	vst v4  }
0x217: {  	[tilespmem:s17+$0xFFFFFFF0] =	vst v3  }
0x218: {  	[tilespmem:s17+$0x0] =	vst v0  }
0x219: {  	[tilespmem:s17+$0x10] =	vst v1  }
0x21a: {  	[tilespmem:s17+$0x20] =	vst v2  }
0x21b: {  	[tilespmem:s17+$0xFFFFFFC0] =	vst v5  }
0x21c: {  	[hbm4b:s3+s18] =	stream.strided.scatter [tilespmem:s25], [sflag:$0x4], $0x400, s19, s18, $0x38;
	[tilespmem:$0x1D700] =	vst v63  }
0x21d: {  	_ =	swait.ge [sflag:s26], $0x400  }
0x21e: {  	[sflag:s26] =	ssyncset.done $0x0  }
0x21f: {  	s31 =	simm.s32 $0x1A970;
	[sflag:s26] =	ssyncadd.s32 $0xFFFFFC00  }
0x220: {  	v0 =	vld [tilespmem:s31+$0x0]  }
0x221: {  	v1 =	vld [tilespmem:s31+$0xFFFFFFA0]  }
0x222: {  	v2 =	vld [tilespmem:s31+$0xFFFFFFB0]  }
0x223: {  	v3 =	vld [tilespmem:s31+$0xFFFFFFC0]  }
0x224: {  	v5 =	vld [tilespmem:s31+$0xFFFFFFD0]  }
0x225: {  	v6 =	vld [tilespmem:s31+$0xFFFFFFE0]  }
0x226: {  	v7 =	vld [tilespmem:s31+$0xFFFFFFF0]  }
0x227: {  	v8 =	vld [tilespmem:s31+$0xFFFFFF90]  }
0x228: {  	v9 =	vld.idx.msk [tilespmem:v0+s4+$0x0], $0xffff  }
0x229: {  	v10 =	vld.idx.msk [tilespmem:v1+s4+$0x0], $0xffff  }
0x22a: {  	v4 =	vld.idx.msk [tilespmem:v2+s4+$0x0], $0xffff  }
0x22b: {  	v3 =	vld.idx.msk [tilespmem:v3+s4+$0x0], $0xffff  }
0x22c: {  	v0 =	vld.idx.msk [tilespmem:v5+s4+$0x0], $0xffff  }
0x22d: {  	s17 =	simm.s32 $0x1CF40;
	v1 =	vld.idx.msk [tilespmem:v6+s4+$0x0], $0xffff  }
0x22e: {  	v2 =	vld.idx.msk [tilespmem:v7+s4+$0x0], $0xffff;
	[tilespmem:s17+$0x30] =	vst v9  }
0x22f: {  	s20 =	simm.s32 $0x0;
	s21 =	simm.s32 $0x1AD70;
	s3 =	sadd.s32 s6, s11;
	v5 =	vld.idx.msk [tilespmem:v8+s4+$0x0], $0xffff;
	[tilespmem:s17+$0xFFFFFFD0] =	vst v10  }
.LBB2_27:
0x230: {  	v6 =	vld [tilespmem:s21+$0x0];
	s20 =	sadd.s32 $0x80, s20;
	[tilespmem:s17+$0xFFFFFFE0] =	vst v4  }
0x231: {  	v4 =	vld [tilespmem:s21+$0xFFFFFFA0];
	p0 =	slt.u32 s20, $0x380;
	[tilespmem:s17+$0xFFFFFFF0] =	vst v3  }
0x232: {  	v3 =	vld [tilespmem:s21+$0xFFFFFFB0];
	[tilespmem:s17+$0x0] =	vst v0  }
0x233: {  	v0 =	vld [tilespmem:s21+$0xFFFFFFC0];
	[tilespmem:s17+$0x10] =	vst v1  }
0x234: {  	v1 =	vld [tilespmem:s21+$0xFFFFFFD0];
	[tilespmem:s17+$0x20] =	vst v2  }
0x235: {  	v2 =	vld [tilespmem:s21+$0xFFFFFFE0];
	[tilespmem:s17+$0xFFFFFFC0] =	vst v5  }
0x236: {  	v5 =	vld [tilespmem:s21+$0xFFFFFFF0]  }
0x237: {  	v7 =	vld [tilespmem:s21+$0xFFFFFF90]  }
0x238: {  	v6 =	vld.idx.msk [tilespmem:v6+s4+$0x0], $0xffff  }
0x239: {  	v8 =	vld.idx.msk [tilespmem:v4+s4+$0x0], $0xffff  }
0x23a: {  	v4 =	vld.idx.msk [tilespmem:v3+s4+$0x0], $0xffff  }
.Ltmp12:
0x23b: {  	v3 =	vld.idx.msk [tilespmem:v0+s4+$0x0], $0xffff;
	(pc) =	sbr.rel @p0 .LBB2_27-.Ltmp12, $4  }
0x23c: {  	v0 =	vld.idx.msk [tilespmem:v1+s4+$0x0], $0xffff  }
0x23d: {  	s17 =	sadd.s32 $0x80, s17;
	v1 =	vld.idx.msk [tilespmem:v2+s4+$0x0], $0xffff  }
0x23e: {  	v2 =	vld.idx.msk [tilespmem:v5+s4+$0x0], $0xffff;
	[tilespmem:s17+$0x30] =	vst v6  }
0x23f: {  	s21 =	sadd.s32 $0x400, s21;
	v5 =	vld.idx.msk [tilespmem:v7+s4+$0x0], $0xffff;
	[tilespmem:s17+$0xFFFFFFD0] =	vst v8  }
0x240: {  	[tilespmem:s17+$0xFFFFFFE0] =	vst v4  }
0x241: {  	[tilespmem:s17+$0xFFFFFFF0] =	vst v3  }
0x242: {  	[tilespmem:s17+$0x0] =	vst v0  }
0x243: {  	[tilespmem:s17+$0x10] =	vst v1  }
0x244: {  	[tilespmem:s17+$0x20] =	vst v2  }
0x245: {  	[tilespmem:s17+$0xFFFFFFC0] =	vst v5  }
0x246: {  	[hbm4b:s3+s18] =	stream.strided.scatter [tilespmem:s24], [sflag:$0x3], $0x400, s19, s18, $0x38;
	[tilespmem:$0x1D700] =	vst v63  }
0x247: {  	_ =	swait.ge [sflag:s28], $0x400  }
0x248: {  	[sflag:s28] =	ssyncset.done $0x0  }
0x249: {  	s31 =	simm.s32 $0x1A9F0;
	[sflag:s28] =	ssyncadd.s32 $0xFFFFFC00  }
0x24a: {  	v0 =	vld [tilespmem:s31+$0x0]  }
0x24b: {  	v1 =	vld [tilespmem:s31+$0xFFFFFFA0]  }
0x24c: {  	v2 =	vld [tilespmem:s31+$0xFFFFFFB0]  }
0x24d: {  	v3 =	vld [tilespmem:s31+$0xFFFFFFC0]  }
0x24e: {  	v5 =	vld [tilespmem:s31+$0xFFFFFFD0]  }
0x24f: {  	v6 =	vld [tilespmem:s31+$0xFFFFFFE0]  }
0x250: {  	v7 =	vld [tilespmem:s31+$0xFFFFFFF0]  }
0x251: {  	v8 =	vld [tilespmem:s31+$0xFFFFFF90]  }
0x252: {  	v9 =	vld.idx.msk [tilespmem:v0+s4+$0x0], $0xffff  }
0x253: {  	v10 =	vld.idx.msk [tilespmem:v1+s4+$0x0], $0xffff  }
0x254: {  	v4 =	vld.idx.msk [tilespmem:v2+s4+$0x0], $0xffff  }
0x255: {  	v3 =	vld.idx.msk [tilespmem:v3+s4+$0x0], $0xffff  }
0x256: {  	v0 =	vld.idx.msk [tilespmem:v5+s4+$0x0], $0xffff  }
0x257: {  	s17 =	simm.s32 $0x1D340;
	v1 =	vld.idx.msk [tilespmem:v6+s4+$0x0], $0xffff  }
0x258: {  	v2 =	vld.idx.msk [tilespmem:v7+s4+$0x0], $0xffff;
	[tilespmem:s17+$0x30] =	vst v9  }
0x259: {  	s20 =	simm.s32 $0x0;
	s21 =	simm.s32 $0x1ADF0;
	s3 =	sadd.s32 s6, s12;
	v5 =	vld.idx.msk [tilespmem:v8+s4+$0x0], $0xffff;
	[tilespmem:s17+$0xFFFFFFD0] =	vst v10  }
.LBB2_29:
0x25a: {  	v6 =	vld [tilespmem:s21+$0x0];
	s20 =	sadd.s32 $0x80, s20;
	[tilespmem:s17+$0xFFFFFFE0] =	vst v4  }
0x25b: {  	v4 =	vld [tilespmem:s21+$0xFFFFFFA0];
	p0 =	slt.u32 s20, $0x380;
	[tilespmem:s17+$0xFFFFFFF0] =	vst v3  }
0x25c: {  	v3 =	vld [tilespmem:s21+$0xFFFFFFB0];
	[tilespmem:s17+$0x0] =	vst v0  }
0x25d: {  	v0 =	vld [tilespmem:s21+$0xFFFFFFC0];
	[tilespmem:s17+$0x10] =	vst v1  }
0x25e: {  	v1 =	vld [tilespmem:s21+$0xFFFFFFD0];
	[tilespmem:s17+$0x20] =	vst v2  }
0x25f: {  	v2 =	vld [tilespmem:s21+$0xFFFFFFE0];
	[tilespmem:s17+$0xFFFFFFC0] =	vst v5  }
0x260: {  	v5 =	vld [tilespmem:s21+$0xFFFFFFF0]  }
0x261: {  	v7 =	vld [tilespmem:s21+$0xFFFFFF90]  }
0x262: {  	v6 =	vld.idx.msk [tilespmem:v6+s4+$0x0], $0xffff  }
0x263: {  	v8 =	vld.idx.msk [tilespmem:v4+s4+$0x0], $0xffff  }
0x264: {  	v4 =	vld.idx.msk [tilespmem:v3+s4+$0x0], $0xffff  }
.Ltmp13:
0x265: {  	v3 =	vld.idx.msk [tilespmem:v0+s4+$0x0], $0xffff;
	(pc) =	sbr.rel @p0 .LBB2_29-.Ltmp13, $4  }
0x266: {  	v0 =	vld.idx.msk [tilespmem:v1+s4+$0x0], $0xffff  }
0x267: {  	s17 =	sadd.s32 $0x80, s17;
	v1 =	vld.idx.msk [tilespmem:v2+s4+$0x0], $0xffff  }
0x268: {  	v2 =	vld.idx.msk [tilespmem:v5+s4+$0x0], $0xffff;
	[tilespmem:s17+$0x30] =	vst v6  }
0x269: {  	s21 =	sadd.s32 $0x400, s21;
	v5 =	vld.idx.msk [tilespmem:v7+s4+$0x0], $0xffff;
	[tilespmem:s17+$0xFFFFFFD0] =	vst v8  }
0x26a: {  	[tilespmem:s17+$0xFFFFFFE0] =	vst v4  }
0x26b: {  	[tilespmem:s17+$0xFFFFFFF0] =	vst v3  }
0x26c: {  	[tilespmem:s17+$0x0] =	vst v0  }
0x26d: {  	[tilespmem:s17+$0x10] =	vst v1  }
0x26e: {  	[tilespmem:s17+$0x20] =	vst v2  }
0x26f: {  	[tilespmem:s17+$0xFFFFFFC0] =	vst v5  }
0x270: {  	[hbm4b:s3+s18] =	stream.strided.scatter [tilespmem:s25], [sflag:$0x4], $0x400, s19, s18, $0x38;
	[tilespmem:$0x1D700] =	vst v63  }
0x271: {  	_ =	swait.ge [sflag:s26], $0x400  }
0x272: {  	[sflag:s26] =	ssyncset.done $0x0  }
0x273: {  	s31 =	simm.s32 $0x1AA70;
	[sflag:s26] =	ssyncadd.s32 $0xFFFFFC00  }
0x274: {  	v0 =	vld [tilespmem:s31+$0x0]  }
0x275: {  	v1 =	vld [tilespmem:s31+$0xFFFFFFA0]  }
0x276: {  	v2 =	vld [tilespmem:s31+$0xFFFFFFB0]  }
0x277: {  	v3 =	vld [tilespmem:s31+$0xFFFFFFC0]  }
0x278: {  	v5 =	vld [tilespmem:s31+$0xFFFFFFD0]  }
0x279: {  	v6 =	vld [tilespmem:s31+$0xFFFFFFE0]  }
0x27a: {  	v7 =	vld [tilespmem:s31+$0xFFFFFFF0]  }
0x27b: {  	v8 =	vld [tilespmem:s31+$0xFFFFFF90]  }
0x27c: {  	v9 =	vld.idx.msk [tilespmem:v0+s4+$0x0], $0xffff  }
0x27d: {  	v10 =	vld.idx.msk [tilespmem:v1+s4+$0x0], $0xffff  }
0x27e: {  	v4 =	vld.idx.msk [tilespmem:v2+s4+$0x0], $0xffff  }
0x27f: {  	v3 =	vld.idx.msk [tilespmem:v3+s4+$0x0], $0xffff  }
0x280: {  	v0 =	vld.idx.msk [tilespmem:v5+s4+$0x0], $0xffff  }
0x281: {  	s17 =	simm.s32 $0x1CF40;
	v1 =	vld.idx.msk [tilespmem:v6+s4+$0x0], $0xffff  }
0x282: {  	v2 =	vld.idx.msk [tilespmem:v7+s4+$0x0], $0xffff;
	[tilespmem:s17+$0x30] =	vst v9  }
0x283: {  	s20 =	simm.s32 $0x0;
	s21 =	simm.s32 $0x1AE70;
	s3 =	sadd.s32 s6, s13;
	v5 =	vld.idx.msk [tilespmem:v8+s4+$0x0], $0xffff;
	[tilespmem:s17+$0xFFFFFFD0] =	vst v10  }
.LBB2_31:
0x284: {  	v6 =	vld [tilespmem:s21+$0x0];
	s20 =	sadd.s32 $0x80, s20;
	[tilespmem:s17+$0xFFFFFFE0] =	vst v4  }
0x285: {  	v4 =	vld [tilespmem:s21+$0xFFFFFFA0];
	p0 =	slt.u32 s20, $0x380;
	[tilespmem:s17+$0xFFFFFFF0] =	vst v3  }
0x286: {  	v3 =	vld [tilespmem:s21+$0xFFFFFFB0];
	[tilespmem:s17+$0x0] =	vst v0  }
0x287: {  	v0 =	vld [tilespmem:s21+$0xFFFFFFC0];
	[tilespmem:s17+$0x10] =	vst v1  }
0x288: {  	v1 =	vld [tilespmem:s21+$0xFFFFFFD0];
	[tilespmem:s17+$0x20] =	vst v2  }
0x289: {  	v2 =	vld [tilespmem:s21+$0xFFFFFFE0];
	[tilespmem:s17+$0xFFFFFFC0] =	vst v5  }
0x28a: {  	v5 =	vld [tilespmem:s21+$0xFFFFFFF0]  }
0x28b: {  	v7 =	vld [tilespmem:s21+$0xFFFFFF90]  }
0x28c: {  	v6 =	vld.idx.msk [tilespmem:v6+s4+$0x0], $0xffff  }
0x28d: {  	v8 =	vld.idx.msk [tilespmem:v4+s4+$0x0], $0xffff  }
0x28e: {  	v4 =	vld.idx.msk [tilespmem:v3+s4+$0x0], $0xffff  }
.Ltmp14:
0x28f: {  	v3 =	vld.idx.msk [tilespmem:v0+s4+$0x0], $0xffff;
	(pc) =	sbr.rel @p0 .LBB2_31-.Ltmp14, $4  }
0x290: {  	v0 =	vld.idx.msk [tilespmem:v1+s4+$0x0], $0xffff  }
0x291: {  	s17 =	sadd.s32 $0x80, s17;
	v1 =	vld.idx.msk [tilespmem:v2+s4+$0x0], $0xffff  }
0x292: {  	v2 =	vld.idx.msk [tilespmem:v5+s4+$0x0], $0xffff;
	[tilespmem:s17+$0x30] =	vst v6  }
0x293: {  	s21 =	sadd.s32 $0x400, s21;
	v5 =	vld.idx.msk [tilespmem:v7+s4+$0x0], $0xffff;
	[tilespmem:s17+$0xFFFFFFD0] =	vst v8  }
0x294: {  	[tilespmem:s17+$0xFFFFFFE0] =	vst v4  }
0x295: {  	[tilespmem:s17+$0xFFFFFFF0] =	vst v3  }
0x296: {  	[tilespmem:s17+$0x0] =	vst v0  }
0x297: {  	[tilespmem:s17+$0x10] =	vst v1  }
0x298: {  	[tilespmem:s17+$0x20] =	vst v2  }
0x299: {  	[tilespmem:s17+$0xFFFFFFC0] =	vst v5  }
0x29a: {  	[hbm4b:s3+s18] =	stream.strided.scatter [tilespmem:s24], [sflag:$0x3], $0x400, s19, s18, $0x38;
	[tilespmem:$0x1D700] =	vst v63  }
0x29b: {  	_ =	swait.ge [sflag:s28], $0x400  }
0x29c: {  	[sflag:s28] =	ssyncset.done $0x0  }
0x29d: {  	s31 =	simm.s32 $0x1AAF0;
	[sflag:s28] =	ssyncadd.s32 $0xFFFFFC00  }
0x29e: {  	v0 =	vld [tilespmem:s31+$0x0]  }
0x29f: {  	v1 =	vld [tilespmem:s31+$0xFFFFFFA0]  }
0x2a0: {  	v2 =	vld [tilespmem:s31+$0xFFFFFFB0]  }
0x2a1: {  	v3 =	vld [tilespmem:s31+$0xFFFFFFC0]  }
0x2a2: {  	v5 =	vld [tilespmem:s31+$0xFFFFFFD0]  }
0x2a3: {  	v6 =	vld [tilespmem:s31+$0xFFFFFFE0]  }
0x2a4: {  	v7 =	vld [tilespmem:s31+$0xFFFFFFF0]  }
0x2a5: {  	v8 =	vld [tilespmem:s31+$0xFFFFFF90]  }
0x2a6: {  	v9 =	vld.idx.msk [tilespmem:v0+s4+$0x0], $0xffff  }
0x2a7: {  	v10 =	vld.idx.msk [tilespmem:v1+s4+$0x0], $0xffff  }
0x2a8: {  	v4 =	vld.idx.msk [tilespmem:v2+s4+$0x0], $0xffff  }
0x2a9: {  	v3 =	vld.idx.msk [tilespmem:v3+s4+$0x0], $0xffff  }
0x2aa: {  	v0 =	vld.idx.msk [tilespmem:v5+s4+$0x0], $0xffff  }
0x2ab: {  	s17 =	simm.s32 $0x1D340;
	v1 =	vld.idx.msk [tilespmem:v6+s4+$0x0], $0xffff  }
0x2ac: {  	v2 =	vld.idx.msk [tilespmem:v7+s4+$0x0], $0xffff;
	[tilespmem:s17+$0x30] =	vst v9  }
0x2ad: {  	s20 =	simm.s32 $0x1AEF0;
	s3 =	sadd.s32 s6, s14;
	s6 =	simm.s32 $0x0;
	v5 =	vld.idx.msk [tilespmem:v8+s4+$0x0], $0xffff;
	[tilespmem:s17+$0xFFFFFFD0] =	vst v10  }
.LBB2_33:
0x2ae: {  	v6 =	vld [tilespmem:s20+$0x0];
	s6 =	sadd.s32 $0x80, s6;
	[tilespmem:s17+$0xFFFFFFE0] =	vst v4  }
0x2af: {  	v4 =	vld [tilespmem:s20+$0xFFFFFFA0];
	p0 =	slt.u32 s6, $0x380;
	[tilespmem:s17+$0xFFFFFFF0] =	vst v3  }
0x2b0: {  	v3 =	vld [tilespmem:s20+$0xFFFFFFB0];
	[tilespmem:s17+$0x0] =	vst v0  }
0x2b1: {  	v0 =	vld [tilespmem:s20+$0xFFFFFFC0];
	[tilespmem:s17+$0x10] =	vst v1  }
0x2b2: {  	v1 =	vld [tilespmem:s20+$0xFFFFFFD0];
	[tilespmem:s17+$0x20] =	vst v2  }
0x2b3: {  	v2 =	vld [tilespmem:s20+$0xFFFFFFE0];
	[tilespmem:s17+$0xFFFFFFC0] =	vst v5  }
0x2b4: {  	v5 =	vld [tilespmem:s20+$0xFFFFFFF0]  }
0x2b5: {  	v7 =	vld [tilespmem:s20+$0xFFFFFF90]  }
0x2b6: {  	v6 =	vld.idx.msk [tilespmem:v6+s4+$0x0], $0xffff  }
0x2b7: {  	v8 =	vld.idx.msk [tilespmem:v4+s4+$0x0], $0xffff  }
0x2b8: {  	v4 =	vld.idx.msk [tilespmem:v3+s4+$0x0], $0xffff  }
.Ltmp15:
0x2b9: {  	v3 =	vld.idx.msk [tilespmem:v0+s4+$0x0], $0xffff;
	(pc) =	sbr.rel @p0 .LBB2_33-.Ltmp15, $4  }
0x2ba: {  	v0 =	vld.idx.msk [tilespmem:v1+s4+$0x0], $0xffff  }
0x2bb: {  	s17 =	sadd.s32 $0x80, s17;
	v1 =	vld.idx.msk [tilespmem:v2+s4+$0x0], $0xffff  }
0x2bc: {  	v2 =	vld.idx.msk [tilespmem:v5+s4+$0x0], $0xffff;
	[tilespmem:s17+$0x30] =	vst v6  }
0x2bd: {  	s20 =	sadd.s32 $0x400, s20;
	v5 =	vld.idx.msk [tilespmem:v7+s4+$0x0], $0xffff;
	[tilespmem:s17+$0xFFFFFFD0] =	vst v8  }
0x2be: {  	[tilespmem:s17+$0xFFFFFFE0] =	vst v4;
	s0 =	sadd.s32 $0x1, s0  }
0x2bf: {  	[tilespmem:s17+$0xFFFFFFF0] =	vst v3;
	p0 =	sne.s32 s0, $0x30  }
.Ltmp16:
0x2c0: {  	[tilespmem:s17+$0x0] =	vst v0;
	(pc) =	sbr.rel @p0 .LBB2_2-.Ltmp16, $4  }
0x2c1: {  	[tilespmem:s17+$0x10] =	vst v1  }
0x2c2: {  	[tilespmem:s17+$0x20] =	vst v2  }
0x2c3: {  	[tilespmem:s17+$0xFFFFFFC0] =	vst v5  }
0x2c4: {  	[hbm4b:s3+s18] =	stream.strided.scatter [tilespmem:s25], [sflag:$0x4], $0x400, s19, s18, $0x38;
	[tilespmem:$0x1D700] =	vst v63  }
0x2c5: {  	_ =	swait.ge [sflag:s26], $0x400  }
0x2c6: {  	[sflag:s26] =	ssyncset.done $0x0  }
0x2c7: {  	[sflag:s26] =	ssyncadd.s32 $0xFFFFFC00  }
0x2c8: {  	_ =	swait.ge [sflag:s28], $0x400  }
0x2c9: {  	[sflag:s28] =	ssyncset.done $0x0  }
0x2ca: {  	s0 =	simm.s32 $0x1C700;
	[sflag:s28] =	ssyncadd.s32 $0xFFFFFC00  }
0x2cb: {  	[tilespmem:s0], [sflag:$0x1] =	stream.strided.gather [hbm4b:s16+s18], $0x400, s19, s18, $0x38;
	[tilespmem:$0x1D700] =	vst v63  }
0x2cc: {  	s0 =	simm.s32 $0x0  }
.LBB2_36:
0x2cd: {  	s3 =	sshll.u32 s0, $0xE  }
0x2ce: {  	_ =	swait.ge [sflag:s22], $0x400;
	p0 =	seq.s32 s0, $0x0;
	s17 =	sshrl.u32 s0, $0x3  }
0x2cf: {  	s20 =	sand.u32 $0x1C000, s3;
	[sflag:s22] =	ssyncset.done $0x0;
	s3 =	simm.s32 @!p0 $0x4  }
0x2d0: {  	s21 =	sshll.u32 s17, $0x7;
	[sflag:s22] =	ssyncadd.s32 $0xFFFFFC00;
	s6 =	sor.u32 $0x2000, s20  }
0x2d1: {  	_ =	swait.ge @!p0 [sflag:s3], $0x400;
	s21 =	sadd.s32 s21, s6  }
0x2d2: {  	s23 =	simm.s32 $0x1CB00;
	[sflag:s3] =	ssyncset.done @!p0 $0x0;
	s21 =	sshrl.u32 s21, $0x3  }
0x2d3: {  	[sflag:s3] =	ssyncadd.s32 @!p0 $0xFFFFFC00;
	s21 =	sadd.s32 s21, s16;
	s3 =	simm.s32 @!p0 $0x3  }
0x2d4: {  	[tilespmem:s23], [sflag:$0x2] =	stream.strided.gather [hbm4b:s21+s18], $0x400, s19, s18, $0x38;
	[tilespmem:$0x1D700] =	vst v63  }
0x2d5: {  	_ =	swait.ge @!p0 [sflag:s3], $0x400  }
0x2d6: {  	[sflag:s3] =	ssyncset.done @!p0 $0x0  }
0x2d7: {  	s31 =	simm.s32 $0x1C740;
	[sflag:s3] =	ssyncadd.s32 @!p0 $0xFFFFFC00  }
0x2d8: {  	v0 =	vld [tilespmem:s31+$0x30]  }
0x2d9: {  	v1 =	vld [tilespmem:s31+$0xFFFFFFD0]  }
0x2da: {  	v2 =	vld [tilespmem:s31+$0xFFFFFFE0]  }
0x2db: {  	v3 =	vld [tilespmem:s31+$0xFFFFFFF0]  }
0x2dc: {  	v6 =	vld [tilespmem:s31+$0x0]  }
0x2dd: {  	v7 =	vld [tilespmem:s31+$0x10]  }
0x2de: {  	v8 =	vld [tilespmem:s31+$0x20]  }
0x2df: {  	v9 =	vld [tilespmem:s31+$0xFFFFFFC0]  }
0x2e0: {  	v10 =	vld.idx.msk [tilespmem:v0+s4+$0x0], $0xffff  }
0x2e1: {  	v11 =	vld.idx.msk [tilespmem:v1+s4+$0x0], $0xffff  }
0x2e2: {  	v5 =	vld.idx.msk [tilespmem:v2+s4+$0x0], $0xffff  }
0x2e3: {  	v4 =	vld.idx.msk [tilespmem:v3+s4+$0x0], $0xffff  }
0x2e4: {  	v2 =	vld.idx.msk [tilespmem:v6+s4+$0x0], $0xffff  }
0x2e5: {  	s21 =	simm.s32 $0x1CF40;
	v1 =	vld.idx.msk [tilespmem:v7+s4+$0x0], $0xffff  }
0x2e6: {  	v0 =	vld.idx.msk [tilespmem:v8+s4+$0x0], $0xffff;
	[tilespmem:s21+$0x30] =	vst v10  }
0x2e7: {  	s30 =	sshll.u32 s0, $0x1;
	s23 =	simm.s32 $0x1C7C0;
	s3 =	simm.s32 $0x0;
	v3 =	vld.idx.msk [tilespmem:v9+s4+$0x0], $0xffff;
	[tilespmem:s21+$0xFFFFFFD0] =	vst v11  }
.LBB2_37:
0x2e8: {  	v6 =	vld [tilespmem:s23+$0x30];
	s3 =	sadd.s32 $0x80, s3;
	[tilespmem:s21+$0xFFFFFFE0] =	vst v5  }
0x2e9: {  	v5 =	vld [tilespmem:s23+$0xFFFFFFD0];
	p0 =	slt.u32 s3, $0x380;
	[tilespmem:s21+$0xFFFFFFF0] =	vst v4  }
0x2ea: {  	v4 =	vld [tilespmem:s23+$0xFFFFFFE0];
	[tilespmem:s21+$0x0] =	vst v2  }
0x2eb: {  	v2 =	vld [tilespmem:s23+$0xFFFFFFF0];
	[tilespmem:s21+$0x10] =	vst v1  }
0x2ec: {  	v1 =	vld [tilespmem:s23+$0x0];
	[tilespmem:s21+$0x20] =	vst v0  }
0x2ed: {  	v0 =	vld [tilespmem:s23+$0x10];
	[tilespmem:s21+$0xFFFFFFC0] =	vst v3  }
0x2ee: {  	v3 =	vld [tilespmem:s23+$0x20]  }
0x2ef: {  	v7 =	vld [tilespmem:s23+$0xFFFFFFC0]  }
0x2f0: {  	v6 =	vld.idx.msk [tilespmem:v6+s4+$0x0], $0xffff  }
0x2f1: {  	v8 =	vld.idx.msk [tilespmem:v5+s4+$0x0], $0xffff  }
0x2f2: {  	v5 =	vld.idx.msk [tilespmem:v4+s4+$0x0], $0xffff  }
.Ltmp17:
0x2f3: {  	v4 =	vld.idx.msk [tilespmem:v2+s4+$0x0], $0xffff;
	(pc) =	sbr.rel @p0 .LBB2_37-.Ltmp17, $4  }
0x2f4: {  	v2 =	vld.idx.msk [tilespmem:v1+s4+$0x0], $0xffff  }
0x2f5: {  	s21 =	sadd.s32 $0x80, s21;
	v1 =	vld.idx.msk [tilespmem:v0+s4+$0x0], $0xffff  }
0x2f6: {  	v0 =	vld.idx.msk [tilespmem:v3+s4+$0x0], $0xffff;
	[tilespmem:s21+$0x30] =	vst v6  }
0x2f7: {  	s23 =	sadd.s32 $0x80, s23;
	v3 =	vld.idx.msk [tilespmem:v7+s4+$0x0], $0xffff;
	[tilespmem:s21+$0xFFFFFFD0] =	vst v8  }
0x2f8: {  	s3 =	sshll.u32 s0, $0x10  }
0x2f9: {  	s3 =	sand.u32 $0x80000, s3  }
0x2fa: {  	[tilespmem:s21+$0xFFFFFFE0] =	vst v5;
	s3 =	sor.u32 s3, s7  }
0x2fb: {  	[tilespmem:s21+$0xFFFFFFF0] =	vst v4;
	s3 =	sor.u32 s5, s3  }
0x2fc: {  	[tilespmem:s21+$0x0] =	vst v2;
	s3 =	sor.u32 s20, s3  }
0x2fd: {  	[tilespmem:s21+$0x10] =	vst v1;
	s3 =	sshrl.u32 s3, $0x3  }
0x2fe: {  	[tilespmem:s21+$0x20] =	vst v0;
	s3 =	sadd.s32 s3, s2  }
0x2ff: {  	p0 =	seq.s32 s0, $0xF;
	[tilespmem:s21+$0xFFFFFFC0] =	vst v3;
	s3 =	sadd.s32 $0x300000, s3  }
0x300: {  	[hbm4b:s3+s18] =	stream.strided.scatter [tilespmem:s24], [sflag:$0x3], $0x400, s19, s18, $0x38;
	[tilespmem:$0x1D700] =	vst v63  }
0x301: {  	s3 =	sadd.s32 @!p0 $0x2, s30  }
0x302: {  	s31 =	simm.s32 $0x1CB40;
	s23 =	simm.s32 @!p0 $0x1C700;
	s20 =	sshll.u32 @!p0 s3, $0xA  }
0x303: {  	_ =	swait.ge [sflag:s29], $0x400;
	s3 =	sand.u32 @!p0 $0x30, s3;
	s20 =	sand.u32 @!p0 $0x3800, s20  }
0x304: {  	s21 =	simm.s32 @!p0 $0x400;
	[sflag:s29] =	ssyncset.done $0x0;
	s3 =	sor.u32 @!p0 s20, s3  }
0x305: {  	[sflag:s29] =	ssyncadd.s32 $0xFFFFFC00;
	s20 =	simm.s32 @!p0 $0x80;
	s3 =	sadd.s32 @!p0 s3, s16  }
0x306: {  	[tilespmem:s23], [sflag:$0x1] =	stream.strided.gather @!p0 [hbm4b:s3+s20], $0x400, s21, s20, $0x38;
	[tilespmem:$0x1D700] =	vst v63  }
0x307: {  	v0 =	vld [tilespmem:s31+$0x30]  }
0x308: {  	v1 =	vld [tilespmem:s31+$0xFFFFFFD0]  }
0x309: {  	v2 =	vld [tilespmem:s31+$0xFFFFFFE0]  }
0x30a: {  	v3 =	vld [tilespmem:s31+$0xFFFFFFF0]  }
0x30b: {  	v6 =	vld [tilespmem:s31+$0x0]  }
0x30c: {  	v7 =	vld [tilespmem:s31+$0x10]  }
0x30d: {  	v8 =	vld [tilespmem:s31+$0x20]  }
0x30e: {  	v9 =	vld [tilespmem:s31+$0xFFFFFFC0]  }
0x30f: {  	v10 =	vld.idx.msk [tilespmem:v0+s4+$0x0], $0xffff  }
0x310: {  	v11 =	vld.idx.msk [tilespmem:v1+s4+$0x0], $0xffff  }
0x311: {  	v5 =	vld.idx.msk [tilespmem:v2+s4+$0x0], $0xffff  }
0x312: {  	v4 =	vld.idx.msk [tilespmem:v3+s4+$0x0], $0xffff  }
0x313: {  	v3 =	vld.idx.msk [tilespmem:v6+s4+$0x0], $0xffff  }
0x314: {  	s20 =	simm.s32 $0x1D340;
	v1 =	vld.idx.msk [tilespmem:v7+s4+$0x0], $0xffff  }
0x315: {  	v0 =	vld.idx.msk [tilespmem:v8+s4+$0x0], $0xffff;
	[tilespmem:s20+$0x30] =	vst v10  }
0x316: {  	s3 =	simm.s32 $0x0;
	s21 =	simm.s32 $0x1CBC0;
	v2 =	vld.idx.msk [tilespmem:v9+s4+$0x0], $0xffff;
	[tilespmem:s20+$0xFFFFFFD0] =	vst v11  }
.LBB2_39:
0x317: {  	v6 =	vld [tilespmem:s21+$0x30];
	s3 =	sadd.s32 $0x80, s3;
	[tilespmem:s20+$0xFFFFFFE0] =	vst v5  }
0x318: {  	v5 =	vld [tilespmem:s21+$0xFFFFFFD0];
	p0 =	slt.u32 s3, $0x380;
	[tilespmem:s20+$0xFFFFFFF0] =	vst v4  }
0x319: {  	v4 =	vld [tilespmem:s21+$0xFFFFFFE0];
	[tilespmem:s20+$0x0] =	vst v3  }
0x31a: {  	v3 =	vld [tilespmem:s21+$0xFFFFFFF0];
	[tilespmem:s20+$0x10] =	vst v1  }
0x31b: {  	v1 =	vld [tilespmem:s21+$0x0];
	[tilespmem:s20+$0x20] =	vst v0  }
0x31c: {  	v0 =	vld [tilespmem:s21+$0x10];
	[tilespmem:s20+$0xFFFFFFC0] =	vst v2  }
0x31d: {  	v2 =	vld [tilespmem:s21+$0x20]  }
0x31e: {  	v7 =	vld [tilespmem:s21+$0xFFFFFFC0]  }
0x31f: {  	v6 =	vld.idx.msk [tilespmem:v6+s4+$0x0], $0xffff  }
0x320: {  	v8 =	vld.idx.msk [tilespmem:v5+s4+$0x0], $0xffff  }
0x321: {  	v5 =	vld.idx.msk [tilespmem:v4+s4+$0x0], $0xffff  }
.Ltmp18:
0x322: {  	v4 =	vld.idx.msk [tilespmem:v3+s4+$0x0], $0xffff;
	(pc) =	sbr.rel @p0 .LBB2_39-.Ltmp18, $4  }
0x323: {  	v3 =	vld.idx.msk [tilespmem:v1+s4+$0x0], $0xffff  }
0x324: {  	s20 =	sadd.s32 $0x80, s20;
	v1 =	vld.idx.msk [tilespmem:v0+s4+$0x0], $0xffff  }
0x325: {  	v0 =	vld.idx.msk [tilespmem:v2+s4+$0x0], $0xffff;
	[tilespmem:s20+$0x30] =	vst v6  }
0x326: {  	s21 =	sadd.s32 $0x80, s21;
	v2 =	vld.idx.msk [tilespmem:v7+s4+$0x0], $0xffff;
	[tilespmem:s20+$0xFFFFFFD0] =	vst v8  }
0x327: {  	s3 =	sshll.u32 s17, $0x13  }
0x328: {  	[tilespmem:s20+$0xFFFFFFE0] =	vst v5;
	s0 =	sadd.s32 $0x1, s0;
	s3 =	sor.u32 s7, s3  }
0x329: {  	[tilespmem:s20+$0xFFFFFFF0] =	vst v4;
	p0 =	sne.s32 s0, $0x10;
	s3 =	sor.u32 s6, s3  }
.Ltmp19:
0x32a: {  	[tilespmem:s20+$0x0] =	vst v3;
	s3 =	sor.u32 s5, s3;
	(pc) =	sbr.rel @p0 .LBB2_36-.Ltmp19, $4  }
0x32b: {  	[tilespmem:s20+$0x10] =	vst v1;
	s3 =	sshrl.u32 s3, $0x3  }
0x32c: {  	[tilespmem:s20+$0x20] =	vst v0;
	s3 =	sor.u32 $0x300000, s3  }
0x32d: {  	[tilespmem:s20+$0xFFFFFFC0] =	vst v2;
	s3 =	sadd.s32 s2, s3  }
0x32e: {  	[hbm4b:s3+s18] =	stream.strided.scatter [tilespmem:s25], [sflag:$0x4], $0x400, s19, s18, $0x38;
	[tilespmem:$0x1D700] =	vst v63  }
0x32f: {  	_ =	swait.ge [sflag:s26], $0x400  }
0x330: {  	[sflag:s26] =	ssyncset.done $0x0  }
0x331: {  	[sflag:s26] =	ssyncadd.s32 $0xFFFFFC00  }
0x332: {  	_ =	swait.ge [sflag:s28], $0x400  }
0x333: {  	s3 =	rddreg [dreg:$0x6]  }
0x334: {  	s0 =	rddreg [dreg:$0x5];
	s3 =	sadd.s32 $0x1, s3  }
0x335: {  	p0 =	sne.s32 s3, s0  }
.Ltmp20:
0x336: {  	_ = 	snop;
	(pc) =	sbr.rel @p0 .LBB2_1-.Ltmp20, $3  }
0x337: {  	_ =	sdelay $0x1  }
0x338: {  	[sflag:s28] =	ssyncset.done $0x0  }
0x339: {  	[sflag:s28] =	ssyncadd.s32 $0xFFFFFC00  }
0x33a: {  	_ =	sfence.sel $0x180000  }
0x33b: {  	[bflag:$0x0] =	sbarrier.arrive $0xFFFF  }
0x33c: {  	_ =	strace $0x90000047  }
0x33d: {  	s0 =	stileid.u32;
	[bflag:$0x2] =	sbarrier.arrive $0xFFFF  }
0x33e: {  	p0 =	sne.s32 s0, $0x0;
	s0 =	rddreg [dreg:$0x3]  }
0x33f: {  	s0 =	sadd.s32 @!p0 $0x100000, s0  }
0x340: {  	[sflag:s0] =	ssyncadd.tile.s32 @!p0 $0x1;
	_ =	shalt  }
.Lfunc_end2:
_tile_overlayer_lowered:
.L_overlay_start_2:
0x341: {  	(tag) =	ssettag $0x2  }
0x342: {  	s0 =	rddreg [dreg:$0x0];
	s2 =	stileid.u32  }
0x343: {  	s1 =	rddreg [dreg:$0x1];
	p0 =	sne.s32 s2, $0x0  }
0x344: {  	s3 =	rddreg [dreg:$0x2];
	[bflag:$0x3] =	sbarrier.arrive $0xFFFF;
	s2 =	simm.s32 @!p0 $0x1C06  }
0x345: {  	[timem:s3], [sflag:s2] =	dma.local @!p0 [hbm:s0], s1  }
0x346: {  	s0 =	simm.s32 @!p0 $0x6  }
0x347: {  	_ =	swait.ge @!p0 [sflag:s0], s1  }
0x348: {  	s1 =	ssub.s32 @!p0 $0x0, s1;
	[sflag:s0] =	ssyncset.done @!p0 $0x0  }
0x349: {  	[sflag:s0] =	ssyncadd.s32 @!p0 s1  }
0x34a: {  	[bflag:$0x3] =	sbarrier.arrive $0xFFFF  }
0x34b: {  	_ =	shalt  }

</sc_bundles>
